<compile_context>
chip_gen: v7x
topology: tpu7x:2x2x1
jax: 0.10.2.dev20260603
libtpu: 0.0.44.dev20260713+nightly
codegen_flags: <defaults>
</compile_context>

<pallas_src>
import functools

import jax
import jax.numpy as jnp
from jax import lax
from jax.experimental import pallas as pl
from jax.experimental.pallas import tpu as pltpu
from jax.experimental.pallas import tpu_sc as plsc

N_NODES = 10000
N_EDGES = 320000
D = 128

NC = 2
NS = 16
NW = NC * NS
WIN = 128
NWTOT = N_EDGES // WIN
WPS = NWTOT // NW
NXTRA = NWTOT - WPS * NW
NTRI = WPS // 3
NDUO = NTRI // 2

NPS_A = 632
NPS_B = N_NODES - (NS - 1) * NPS_A


def _sc_gather_segment_sum(x, ref_a, backref):
    mesh = plsc.VectorSubcoreMesh(core_axis_name="c", subcore_axis_name="s")

    @functools.partial(
        pl.kernel,
        out_type=jax.ShapeDtypeStruct((NC, N_NODES, D), jnp.float32),
        mesh=mesh,
        scratch_types=[
            pltpu.VMEM_SHARED((N_NODES, D), jnp.float32),
        ]
        + [pltpu.VMEM((WIN,), jnp.int32)] * 12
        + [pltpu.VMEM((WIN, D), jnp.float32)] * 3
        + [pltpu.SemaphoreType.DMA] * 5,
    )
    def k(x_hbm, ra_hbm, br_hbm, out_hbm, acc,
          iaA0, ibA0, iaA1, ibA1, iaA2, ibA2,
          iaB0, ibB0, iaB1, ibB1, iaB2, ibB2,
          r0, r1, r2, g0, g1, g2, giA, giB):
        c = lax.axis_index("c")
        s = lax.axis_index("s")
        wid = c * NS + s

        @pl.loop(0, WIN)
        def _(i):
            @pl.loop(0, D, step=16)
            def _(j):
                r0[i, pl.ds(j, 16)] = jnp.zeros((16,), jnp.float32)

        nbase = pl.multiple_of(s * NPS_A, 8)

        def zero_rows(base, nrows):
            hs = []
            for t in range(nrows // WIN):
                hs.append(pltpu.async_copy(
                    r0, acc.at[pl.ds(base + t * WIN, WIN)], giA))
            rem = nrows - (nrows // WIN) * WIN
            if rem:
                hs.append(pltpu.async_copy(
                    r0.at[pl.ds(0, rem)],
                    acc.at[pl.ds(base + (nrows // WIN) * WIN, rem)], giB))
            for h in hs:
                h.wait()

        @pl.when(s < NS - 1)
        def _():
            zero_rows(nbase, NPS_A)

        @pl.when(s == NS - 1)
        def _():
            zero_rows(nbase, NPS_B)

        plsc.subcore_barrier()

        ebase = wid * (WPS * WIN)
        A = ((iaA0, ibA0), (iaA1, ibA1), (iaA2, ibA2))
        B = ((iaB0, ibB0), (iaB1, ibB1), (iaB2, ibB2))
        GW = 3 * WIN

        def fire_idx(goff, bufs, sem):
            for d, (ia, ib) in enumerate(bufs):
                pltpu.async_copy(ra_hbm.at[pl.ds(goff + d * WIN, WIN)], ia, sem)
                pltpu.async_copy(br_hbm.at[pl.ds(goff + d * WIN, WIN)], ib, sem)

        def drain_idx(goff, bufs, sem):
            for d, (ia, ib) in enumerate(bufs):
                pltpu.make_async_copy(
                    ra_hbm.at[pl.ds(goff + d * WIN, WIN)], ia, sem).wait()
                pltpu.make_async_copy(
                    br_hbm.at[pl.ds(goff + d * WIN, WIN)], ib, sem).wait()

        def process(bufs):
            (j0, k0), (j1, k1), (j2, k2) = bufs
            cp0 = pltpu.async_copy(x_hbm.at[j0], r0, g0)
            cp1 = pltpu.async_copy(x_hbm.at[j1], r1, g1)
            cp2 = pltpu.async_copy(x_hbm.at[j2], r2, g2)
            cp0.wait()
            pltpu.sync_copy(r0, acc.at[k0], add=True)
            cp1.wait()
            pltpu.sync_copy(r1, acc.at[k1], add=True)
            cp2.wait()
            pltpu.sync_copy(r2, acc.at[k2], add=True)

        fire_idx(ebase, A, giA)

        @pl.loop(0, NDUO)
        def _(q):
            offA = ebase + q * 2 * GW
            offB = offA + GW
            fire_idx(offB, B, giB)
            drain_idx(offA, A, giA)
            process(A)

            @pl.when(q < NDUO - 1)
            def _():
                fire_idx(offA + 2 * GW, A, giA)

            drain_idx(offB, B, giB)
            process(B)

        @pl.when(wid >= NW - NXTRA)
        def _():
            off = (WPS * NW + (wid - (NW - NXTRA))) * WIN
            pltpu.sync_copy(ra_hbm.at[pl.ds(off, WIN)], iaA0)
            pltpu.sync_copy(br_hbm.at[pl.ds(off, WIN)], ibA0)
            pltpu.async_copy(x_hbm.at[iaA0], r0, g0).wait()
            pltpu.sync_copy(r0, acc.at[ibA0], add=True)

        plsc.subcore_barrier()

        @pl.when(s < NS - 1)
        def _():
            pltpu.sync_copy(acc.at[pl.ds(nbase, NPS_A)],
                            out_hbm.at[c, pl.ds(nbase, NPS_A)])

        @pl.when(s == NS - 1)
        def _():
            pltpu.sync_copy(acc.at[pl.ds(nbase, NPS_B)],
                            out_hbm.at[c, pl.ds(nbase, NPS_B)])

    return k(x, ref_a, backref)


def _tc_combine(x, s0, s1, w, w_prop, b):
    br = 1000

    def body(x_ref, s0_ref, s1_ref, w_ref, wp_ref, b_ref, o_ref):
        acc = jnp.dot(x_ref[...], w_ref[...], preferred_element_type=jnp.float32)
        conv = s0_ref[...] + s1_ref[...]
        acc += jnp.dot(conv, wp_ref[...], preferred_element_type=jnp.float32)
        o_ref[...] = jnp.maximum(acc + b_ref[...], 0.0)

    return pl.pallas_call(
        body,
        grid=(N_NODES // br,),
        in_specs=[
            pl.BlockSpec((br, D), lambda i: (i, 0)),
            pl.BlockSpec((br, D), lambda i: (i, 0)),
            pl.BlockSpec((br, D), lambda i: (i, 0)),
            pl.BlockSpec((D, D), lambda i: (0, 0)),
            pl.BlockSpec((D, D), lambda i: (0, 0)),
            pl.BlockSpec((1, D), lambda i: (0, 0)),
        ],
        out_specs=pl.BlockSpec((br, D), lambda i: (i, 0)),
        out_shape=jax.ShapeDtypeStruct((N_NODES, D), jnp.float32),
    )(x, s0, s1, w, w_prop, b.reshape(1, D))


def kernel(X, ref_a, backref, e_map, v_count, W, W_prop, b):
    partials = _sc_gather_segment_sum(X, ref_a, backref)
    X_out = _tc_combine(X, partials[0], partials[1], W, W_prop, b)
    return (X_out, ref_a, backref, e_map, v_count)

# --- scband reference (transcript-rebuilt; emitter-appended) ---
"""Pipeline reference for scband-k2-gnnlayer-40432822125207 (READ-ONLY COPY).

The authoritative reference and input builder live on the scoring server;
editing this copy changes nothing except your own understanding.
"""

import jax, jax.numpy as jnp
import numpy as np

N_NODES = 10000
N_EDGES = 320000
D_IN = 128
D_OUT = 128


def setup_inputs(seed: int = 0) -> dict:
    key = jax.random.key(seed)
    k_x, k_ra, k_br, k_em, k_w, k_wp = jax.random.split(key, 6)
    X = jax.random.normal(k_x, (N_NODES, D_IN), dtype=jnp.float32)
    ref_a = jax.random.randint(k_ra, (N_EDGES,), 0, N_NODES, dtype=jnp.int64 if jax.config.jax_enable_x64 else jnp.int32).astype(jnp.int32)
    backref = jnp.sort(jax.random.randint(k_br, (N_EDGES,), 0, N_NODES).astype(jnp.int32))
    e_map = jax.random.randint(k_em, (N_EDGES,), 0, N_EDGES).astype(jnp.int32)
    v_count = N_NODES
    # Glorot-uniform-style init for the two weight matrices
    limit = float(np.sqrt(6.0 / (D_IN + D_OUT)))
    W = jax.random.uniform(k_w, (D_IN, D_OUT), minval=-limit, maxval=limit, dtype=jnp.float32)
    W_prop = jax.random.uniform(k_wp, (D_IN, D_OUT), minval=-limit, maxval=limit, dtype=jnp.float32)
    b = jnp.zeros((D_OUT,), dtype=jnp.float32)
    return {"X": X, "ref_a": ref_a, "backref": backref, "e_map": e_map, "v_count": v_count, "W": W, "W_prop": W_prop, "b": b}


def reference(X, ref_a, backref, e_map, v_count, W, W_prop, b):
    # XW = X @ W ; XW_prop = X @ W_prop
    XW = jnp.matmul(X, W)
    XW_prop = jnp.matmul(X, W_prop)
    # wl1_convolution_compact: gather propagated features at neighbor refs,
    # then scatter-add (segment-sum) back to each vertex via backref.
    gathered = jnp.take(XW_prop, ref_a, axis=0)
    X_conv = jax.ops.segment_sum(gathered, backref, num_segments=X.shape[0])
    XW_comb = XW + X_conv + b
    X_out = jax.nn.relu(XW_comb)
    return (X_out, ref_a, backref, e_map, v_count)

if __name__ == "__main__":
    import jax
    _d = setup_inputs()
    print(jax.jit(kernel)(*tuple(_d.values())))

</pallas_src>

<mosaic_0001>
#map = affine_map<(d0, d1) -> (0, 0)>
#map1 = affine_map<(d0, d1) -> (0)>
#map2 = affine_map<(d0, d1) -> (0, 0, 0)>
module attributes {stable_mosaic.version = 14 : i64} {
  func.func @k(%arg0: i32, %arg1: i32, %arg2: memref<10000x128xf32, #tpu.memory_space<hbm>>, %arg3: memref<320000xi32, #tpu.memory_space<hbm>>, %arg4: memref<320000xi32, #tpu.memory_space<hbm>>, %arg5: memref<2x10000x128xf32, #tpu.memory_space<hbm>>, %arg6: memref<10000x128xf32, #tpu.memory_space<vmem_shared>>, %arg7: memref<128xi32, #tpu.memory_space<vmem>>, %arg8: memref<128xi32, #tpu.memory_space<vmem>>, %arg9: memref<128xi32, #tpu.memory_space<vmem>>, %arg10: memref<128xi32, #tpu.memory_space<vmem>>, %arg11: memref<128xi32, #tpu.memory_space<vmem>>, %arg12: memref<128xi32, #tpu.memory_space<vmem>>, %arg13: memref<128xi32, #tpu.memory_space<vmem>>, %arg14: memref<128xi32, #tpu.memory_space<vmem>>, %arg15: memref<128xi32, #tpu.memory_space<vmem>>, %arg16: memref<128xi32, #tpu.memory_space<vmem>>, %arg17: memref<128xi32, #tpu.memory_space<vmem>>, %arg18: memref<128xi32, #tpu.memory_space<vmem>>, %arg19: memref<128x128xf32, #tpu.memory_space<vmem>>, %arg20: memref<128x128xf32, #tpu.memory_space<vmem>>, %arg21: memref<128x128xf32, #tpu.memory_space<vmem>>, %arg22: memref<!tpu.dma_semaphore, #tpu.memory_space<semaphore_mem>>, %arg23: memref<!tpu.dma_semaphore, #tpu.memory_space<semaphore_mem>>, %arg24: memref<!tpu.dma_semaphore, #tpu.memory_space<semaphore_mem>>, %arg25: memref<!tpu.dma_semaphore, #tpu.memory_space<semaphore_mem>>, %arg26: memref<!tpu.dma_semaphore, #tpu.memory_space<semaphore_mem>>) attributes {dimension_semantics = [#tpu.dimension_semantics<core_parallel>, #tpu.dimension_semantics<subcore_parallel>], iteration_bounds = array<i64: 2, 16>, scalar_prefetch = 0 : i64, scratch_operands = 21 : i64, tpu.core_type = #tpu.core_type<sc_vector_subcore>, window_params = [{transform_indices = #map}, {transform_indices = #map1}, {transform_indices = #map1}, {transform_indices = #map2}]} {
    %mul3A = arith.constant 16 : i32
    %mul3A_0 = arith.muli %arg0, %mul3A : i32
    %add3A = arith.addi %mul3A_0, %arg1 : i32
    %scan3A = arith.constant 0 : i32
    %scan3A_1 = arith.constant 128 : i32
    %scan3A_2 = arith.addi %scan3A, %scan3A_1 : i32
    %scan3A_3 = arith.constant 1 : i32
    scf.for %scan3A_58 = %scan3A to %scan3A_2 step %scan3A_3  : i32 {
      %mul3A_59 = arith.constant 1 : i32
      %mul3A_60 = arith.muli %scan3A_58, %mul3A_59 : i32
      %add3A_61 = arith.constant 0 : i32
      %add3A_62 = arith.addi %add3A_61, %mul3A_60 : i32
      %scan3A_63 = arith.constant 0 : i32
      %scan3A_64 = arith.constant 8 : i32
      %scan3A_65 = arith.addi %scan3A_63, %scan3A_64 : i32
      %scan3A_66 = arith.constant 1 : i32
      scf.for %scan3A_68 = %scan3A_63 to %scan3A_65 step %scan3A_66  : i32 {
        %mul3A_69 = arith.constant 16 : i32
        %mul3A_70 = arith.muli %scan3A_68, %mul3A_69 : i32
        %add3A_71 = arith.constant 0 : i32
        %add3A_72 = arith.addi %add3A_71, %mul3A_70 : i32
        %broadcast_in_dim3A = arith.constant 0.000000e+00 : f32
        %broadcast_in_dim3A_73 = vector.broadcast %broadcast_in_dim3A : f32 to vector<16xf32>
        %swap3A = arith.index_cast %add3A_62 : i32 to index
        %swap3A_74 = arith.index_cast %add3A_72 : i32 to index
        %swap3A_75 = tpu.vector_load %arg19[%swap3A, %swap3A_74] {strides = array<i32>} : memref<128x128xf32, #tpu.memory_space<vmem>>, vector<1x16xf32>,
        %swap3A_76 = vector.shape_cast %swap3A_75 : vector<1x16xf32> to vector<16xf32>
        %swap3A_77 = vector.shape_cast %broadcast_in_dim3A_73 : vector<16xf32> to vector<1x16xf32>
        tpu.vector_store %arg19[%swap3A, %swap3A_74], %swap3A_77 {strides = array<i32>} : memref<128x128xf32, #tpu.memory_space<vmem>>, vector<1x16xf32>,
      }
      %scan3A_67 = arith.constant 8 : i32
    }
    %scan3A_4 = arith.constant 128 : i32
    %mul3A_5 = arith.constant 632 : i32
    %mul3A_6 = arith.muli %arg1, %mul3A_5 : i32
    %multiple_of3A = tpu.assume_multiple %mul3A_6, 8 : i32
    %lt3A = arith.constant 15 : i32
    %lt3A_7 = arith.cmpi slt, %arg1, %lt3A : i32
    %convert_element_type3A = arith.extui %lt3A_7 : i1 to i32
    %cond3A = arith.constant 0 : i32
    %cond3A_8 = arith.cmpi ne, %convert_element_type3A, %cond3A : i32
    scf.if %cond3A_8 {
      %add3A_58 = arith.constant 0 : i32
      %add3A_59 = arith.addi %multiple_of3A, %add3A_58 : i32
      %dma_start3A_60 = arith.constant 0 : i32
      %dma_start3A_61 = tpu.memref_slice %arg6[%add3A_59, %dma_start3A_60] : memref<10000x128xf32, #tpu.memory_space<vmem_shared>> -> memref<128x128xf32, #tpu.memory_space<vmem_shared>>
      %dma_start3A_62 = arith.constant 0 : i32
      %dma_start3A_63 = tpu.memref_slice %arg6[%add3A_59, %dma_start3A_62] : memref<10000x128xf32, #tpu.memory_space<vmem_shared>> -> memref<128x128xf32, #tpu.memory_space<vmem_shared>>
      tpu.enqueue_dma source(%arg19 : memref<128x128xf32, #tpu.memory_space<vmem>>) target(%dma_start3A_63 : memref<128x128xf32, #tpu.memory_space<vmem_shared>>) target_semaphore(%arg25 : memref<!tpu.dma_semaphore, #tpu.memory_space<semaphore_mem>>)
      %add3A_64 = arith.constant 128 : i32
      %add3A_65 = arith.addi %multiple_of3A, %add3A_64 : i32
      %dma_start3A_66 = arith.constant 0 : i32
      %dma_start3A_67 = tpu.memref_slice %arg6[%add3A_65, %dma_start3A_66] : memref<10000x128xf32, #tpu.memory_space<vmem_shared>> -> memref<128x128xf32, #tpu.memory_space<vmem_shared>>
      %dma_start3A_68 = arith.constant 0 : i32
      %dma_start3A_69 = tpu.memref_slice %arg6[%add3A_65, %dma_start3A_68] : memref<10000x128xf32, #tpu.memory_space<vmem_shared>> -> memref<128x128xf32, #tpu.memory_space<vmem_shared>>
      tpu.enqueue_dma source(%arg19 : memref<128x128xf32, #tpu.memory_space<vmem>>) target(%dma_start3A_69 : memref<128x128xf32, #tpu.memory_space<vmem_shared>>) target_semaphore(%arg25 : memref<!tpu.dma_semaphore, #tpu.memory_space<semaphore_mem>>)
      %add3A_70 = arith.constant 256 : i32
      %add3A_71 = arith.addi %multiple_of3A, %add3A_70 : i32
      %dma_start3A_72 = arith.constant 0 : i32
      %dma_start3A_73 = tpu.memref_slice %arg6[%add3A_71, %dma_start3A_72] : memref<10000x128xf32, #tpu.memory_space<vmem_shared>> -> memref<128x128xf32, #tpu.memory_space<vmem_shared>>
      %dma_start3A_74 = arith.constant 0 : i32
      %dma_start3A_75 = tpu.memref_slice %arg6[%add3A_71, %dma_start3A_74] : memref<10000x128xf32, #tpu.memory_space<vmem_shared>> -> memref<128x128xf32, #tpu.memory_space<vmem_shared>>
      tpu.enqueue_dma source(%arg19 : memref<128x128xf32, #tpu.memory_space<vmem>>) target(%dma_start3A_75 : memref<128x128xf32, #tpu.memory_space<vmem_shared>>) target_semaphore(%arg25 : memref<!tpu.dma_semaphore, #tpu.memory_space<semaphore_mem>>)
      %add3A_76 = arith.constant 384 : i32
      %add3A_77 = arith.addi %multiple_of3A, %add3A_76 : i32
      %dma_start3A_78 = arith.constant 0 : i32
      %dma_start3A_79 = tpu.memref_slice %arg6[%add3A_77, %dma_start3A_78] : memref<10000x128xf32, #tpu.memory_space<vmem_shared>> -> memref<128x128xf32, #tpu.memory_space<vmem_shared>>
      %dma_start3A_80 = arith.constant 0 : i32
      %dma_start3A_81 = tpu.memref_slice %arg6[%add3A_77, %dma_start3A_80] : memref<10000x128xf32, #tpu.memory_space<vmem_shared>> -> memref<128x128xf32, #tpu.memory_space<vmem_shared>>
      tpu.enqueue_dma source(%arg19 : memref<128x128xf32, #tpu.memory_space<vmem>>) target(%dma_start3A_81 : memref<128x128xf32, #tpu.memory_space<vmem_shared>>) target_semaphore(%arg25 : memref<!tpu.dma_semaphore, #tpu.memory_space<semaphore_mem>>)
      %add3A_82 = arith.constant 512 : i32
      %add3A_83 = arith.addi %multiple_of3A, %add3A_82 : i32
      %dma_start3A_84 = arith.constant 0 : i32
      %dma_start3A_85 = arith.constant 0 : i32
      %dma_start3A_86 = tpu.memref_slice %arg19[%dma_start3A_84, %dma_start3A_85] : memref<128x128xf32, #tpu.memory_space<vmem>> -> memref<120x128xf32, #tpu.memory_space<vmem>>
      %dma_start3A_87 = arith.constant 0 : i32
      %dma_start3A_88 = tpu.memref_slice %arg6[%add3A_83, %dma_start3A_87] : memref<10000x128xf32, #tpu.memory_space<vmem_shared>> -> memref<120x128xf32, #tpu.memory_space<vmem_shared>>
      %dma_start3A_89 = arith.constant 0 : i32
      %dma_start3A_90 = tpu.memref_slice %arg6[%add3A_83, %dma_start3A_89] : memref<10000x128xf32, #tpu.memory_space<vmem_shared>> -> memref<120x128xf32, #tpu.memory_space<vmem_shared>>
      %dma_start3A_91 = arith.constant 0 : i32
      %dma_start3A_92 = arith.constant 0 : i32
      %dma_start3A_93 = tpu.memref_slice %arg19[%dma_start3A_91, %dma_start3A_92] : memref<128x128xf32, #tpu.memory_space<vmem>> -> memref<120x128xf32, #tpu.memory_space<vmem>>
      tpu.enqueue_dma source(%dma_start3A_93 : memref<120x128xf32, #tpu.memory_space<vmem>>) target(%dma_start3A_90 : memref<120x128xf32, #tpu.memory_space<vmem_shared>>) target_semaphore(%arg26 : memref<!tpu.dma_semaphore, #tpu.memory_space<semaphore_mem>>)
      %dma_wait3A = arith.constant 0 : i32
      %dma_wait3A_94 = tpu.memref_slice %arg6[%add3A_59, %dma_wait3A] : memref<10000x128xf32, #tpu.memory_space<vmem_shared>> -> memref<128x128xf32, #tpu.memory_space<vmem_shared>>
      %dma_wait3A_95 = arith.constant 0 : i32
      %dma_wait3A_96 = tpu.memref_slice %arg6[%add3A_59, %dma_wait3A_95] : memref<10000x128xf32, #tpu.memory_space<vmem_shared>> -> memref<128x128xf32, #tpu.memory_space<vmem_shared>>
      tpu.wait_dma2 semaphore(%arg25 : memref<!tpu.dma_semaphore, #tpu.memory_space<semaphore_mem>>) src(%arg19 : memref<128x128xf32, #tpu.memory_space<vmem>>) dst(%dma_wait3A_96 : memref<128x128xf32, #tpu.memory_space<vmem_shared>>)
      %dma_wait3A_97 = arith.constant 0 : i32
      %dma_wait3A_98 = tpu.memref_slice %arg6[%add3A_65, %dma_wait3A_97] : memref<10000x128xf32, #tpu.memory_space<vmem_shared>> -> memref<128x128xf32, #tpu.memory_space<vmem_shared>>
      %dma_wait3A_99 = arith.constant 0 : i32
      %dma_wait3A_100 = tpu.memref_slice %arg6[%add3A_65, %dma_wait3A_99] : memref<10000x128xf32, #tpu.memory_space<vmem_shared>> -> memref<128x128xf32, #tpu.memory_space<vmem_shared>>
      tpu.wait_dma2 semaphore(%arg25 : memref<!tpu.dma_semaphore, #tpu.memory_space<semaphore_mem>>) src(%arg19 : memref<128x128xf32, #tpu.memory_space<vmem>>) dst(%dma_wait3A_100 : memref<128x128xf32, #tpu.memory_space<vmem_shared>>)
      %dma_wait3A_101 = arith.constant 0 : i32
      %dma_wait3A_102 = tpu.memref_slice %arg6[%add3A_71, %dma_wait3A_101] : memref<10000x128xf32, #tpu.memory_space<vmem_shared>> -> memref<128x128xf32, #tpu.memory_space<vmem_shared>>
      %dma_wait3A_103 = arith.constant 0 : i32
      %dma_wait3A_104 = tpu.memref_slice %arg6[%add3A_71, %dma_wait3A_103] : memref<10000x128xf32, #tpu.memory_space<vmem_shared>> -> memref<128x128xf32, #tpu.memory_space<vmem_shared>>
      tpu.wait_dma2 semaphore(%arg25 : memref<!tpu.dma_semaphore, #tpu.memory_space<semaphore_mem>>) src(%arg19 : memref<128x128xf32, #tpu.memory_space<vmem>>) dst(%dma_wait3A_104 : memref<128x128xf32, #tpu.memory_space<vmem_shared>>)
      %dma_wait3A_105 = arith.constant 0 : i32
      %dma_wait3A_106 = tpu.memref_slice %arg6[%add3A_77, %dma_wait3A_105] : memref<10000x128xf32, #tpu.memory_space<vmem_shared>> -> memref<128x128xf32, #tpu.memory_space<vmem_shared>>
      %dma_wait3A_107 = arith.constant 0 : i32
      %dma_wait3A_108 = tpu.memref_slice %arg6[%add3A_77, %dma_wait3A_107] : memref<10000x128xf32, #tpu.memory_space<vmem_shared>> -> memref<128x128xf32, #tpu.memory_space<vmem_shared>>
      tpu.wait_dma2 semaphore(%arg25 : memref<!tpu.dma_semaphore, #tpu.memory_space<semaphore_mem>>) src(%arg19 : memref<128x128xf32, #tpu.memory_space<vmem>>) dst(%dma_wait3A_108 : memref<128x128xf32, #tpu.memory_space<vmem_shared>>)
      %dma_wait3A_109 = arith.constant 0 : i32
      %dma_wait3A_110 = arith.constant 0 : i32
      %dma_wait3A_111 = tpu.memref_slice %arg19[%dma_wait3A_109, %dma_wait3A_110] : memref<128x128xf32, #tpu.memory_space<vmem>> -> memref<120x128xf32, #tpu.memory_space<vmem>>
      %dma_wait3A_112 = arith.constant 0 : i32
      %dma_wait3A_113 = tpu.memref_slice %arg6[%add3A_83, %dma_wait3A_112] : memref<10000x128xf32, #tpu.memory_space<vmem_shared>> -> memref<120x128xf32, #tpu.memory_space<vmem_shared>>
      %dma_wait3A_114 = arith.constant 0 : i32
      %dma_wait3A_115 = tpu.memref_slice %arg6[%add3A_83, %dma_wait3A_114] : memref<10000x128xf32, #tpu.memory_space<vmem_shared>> -> memref<120x128xf32, #tpu.memory_space<vmem_shared>>
      %dma_wait3A_116 = arith.constant 0 : i32
      %dma_wait3A_117 = arith.constant 0 : i32
      %dma_wait3A_118 = tpu.memref_slice %arg19[%dma_wait3A_116, %dma_wait3A_117] : memref<128x128xf32, #tpu.memory_space<vmem>> -> memref<120x128xf32, #tpu.memory_space<vmem>>
      tpu.wait_dma2 semaphore(%arg26 : memref<!tpu.dma_semaphore, #tpu.memory_space<semaphore_mem>>) src(%dma_wait3A_118 : memref<120x128xf32, #tpu.memory_space<vmem>>) dst(%dma_wait3A_115 : memref<120x128xf32, #tpu.memory_space<vmem_shared>>)
    } else {
    }
    %eq3A = arith.constant 15 : i32
    %eq3A_9 = arith.cmpi eq, %arg1, %eq3A : i32
    %convert_element_type3A_10 = arith.extui %eq3A_9 : i1 to i32
    %cond3A_11 = arith.constant 0 : i32
    %cond3A_12 = arith.cmpi ne, %convert_element_type3A_10, %cond3A_11 : i32
    scf.if %cond3A_12 {
      %add3A_58 = arith.constant 0 : i32
      %add3A_59 = arith.addi %multiple_of3A, %add3A_58 : i32
      %dma_start3A_60 = arith.constant 0 : i32
      %dma_start3A_61 = tpu.memref_slice %arg6[%add3A_59, %dma_start3A_60] : memref<10000x128xf32, #tpu.memory_space<vmem_shared>> -> memref<128x128xf32, #tpu.memory_space<vmem_shared>>
      %dma_start3A_62 = arith.constant 0 : i32
      %dma_start3A_63 = tpu.memref_slice %arg6[%add3A_59, %dma_start3A_62] : memref<10000x128xf32, #tpu.memory_space<vmem_shared>> -> memref<128x128xf32, #tpu.memory_space<vmem_shared>>
      tpu.enqueue_dma source(%arg19 : memref<128x128xf32, #tpu.memory_space<vmem>>) target(%dma_start3A_63 : memref<128x128xf32, #tpu.memory_space<vmem_shared>>) target_semaphore(%arg25 : memref<!tpu.dma_semaphore, #tpu.memory_space<semaphore_mem>>)
      %add3A_64 = arith.constant 128 : i32
      %add3A_65 = arith.addi %multiple_of3A, %add3A_64 : i32
      %dma_start3A_66 = arith.constant 0 : i32
      %dma_start3A_67 = tpu.memref_slice %arg6[%add3A_65, %dma_start3A_66] : memref<10000x128xf32, #tpu.memory_space<vmem_shared>> -> memref<128x128xf32, #tpu.memory_space<vmem_shared>>
      %dma_start3A_68 = arith.constant 0 : i32
      %dma_start3A_69 = tpu.memref_slice %arg6[%add3A_65, %dma_start3A_68] : memref<10000x128xf32, #tpu.memory_space<vmem_shared>> -> memref<128x128xf32, #tpu.memory_space<vmem_shared>>
      tpu.enqueue_dma source(%arg19 : memref<128x128xf32, #tpu.memory_space<vmem>>) target(%dma_start3A_69 : memref<128x128xf32, #tpu.memory_space<vmem_shared>>) target_semaphore(%arg25 : memref<!tpu.dma_semaphore, #tpu.memory_space<semaphore_mem>>)
      %add3A_70 = arith.constant 256 : i32
      %add3A_71 = arith.addi %multiple_of3A, %add3A_70 : i32
      %dma_start3A_72 = arith.constant 0 : i32
      %dma_start3A_73 = tpu.memref_slice %arg6[%add3A_71, %dma_start3A_72] : memref<10000x128xf32, #tpu.memory_space<vmem_shared>> -> memref<128x128xf32, #tpu.memory_space<vmem_shared>>
      %dma_start3A_74 = arith.constant 0 : i32
      %dma_start3A_75 = tpu.memref_slice %arg6[%add3A_71, %dma_start3A_74] : memref<10000x128xf32, #tpu.memory_space<vmem_shared>> -> memref<128x128xf32, #tpu.memory_space<vmem_shared>>
      tpu.enqueue_dma source(%arg19 : memref<128x128xf32, #tpu.memory_space<vmem>>) target(%dma_start3A_75 : memref<128x128xf32, #tpu.memory_space<vmem_shared>>) target_semaphore(%arg25 : memref<!tpu.dma_semaphore, #tpu.memory_space<semaphore_mem>>)
      %add3A_76 = arith.constant 384 : i32
      %add3A_77 = arith.addi %multiple_of3A, %add3A_76 : i32
      %dma_start3A_78 = arith.constant 0 : i32
      %dma_start3A_79 = tpu.memref_slice %arg6[%add3A_77, %dma_start3A_78] : memref<10000x128xf32, #tpu.memory_space<vmem_shared>> -> memref<128x128xf32, #tpu.memory_space<vmem_shared>>
      %dma_start3A_80 = arith.constant 0 : i32
      %dma_start3A_81 = tpu.memref_slice %arg6[%add3A_77, %dma_start3A_80] : memref<10000x128xf32, #tpu.memory_space<vmem_shared>> -> memref<128x128xf32, #tpu.memory_space<vmem_shared>>
      tpu.enqueue_dma source(%arg19 : memref<128x128xf32, #tpu.memory_space<vmem>>) target(%dma_start3A_81 : memref<128x128xf32, #tpu.memory_space<vmem_shared>>) target_semaphore(%arg25 : memref<!tpu.dma_semaphore, #tpu.memory_space<semaphore_mem>>)
      %add3A_82 = arith.constant 512 : i32
      %add3A_83 = arith.addi %multiple_of3A, %add3A_82 : i32
      %dma_start3A_84 = arith.constant 0 : i32
      %dma_start3A_85 = arith.constant 0 : i32
      %dma_start3A_86 = tpu.memref_slice %arg19[%dma_start3A_84, %dma_start3A_85] : memref<128x128xf32, #tpu.memory_space<vmem>> -> memref<8x128xf32, #tpu.memory_space<vmem>>
      %dma_start3A_87 = arith.constant 0 : i32
      %dma_start3A_88 = tpu.memref_slice %arg6[%add3A_83, %dma_start3A_87] : memref<10000x128xf32, #tpu.memory_space<vmem_shared>> -> memref<8x128xf32, #tpu.memory_space<vmem_shared>>
      %dma_start3A_89 = arith.constant 0 : i32
      %dma_start3A_90 = tpu.memref_slice %arg6[%add3A_83, %dma_start3A_89] : memref<10000x128xf32, #tpu.memory_space<vmem_shared>> -> memref<8x128xf32, #tpu.memory_space<vmem_shared>>
      %dma_start3A_91 = arith.constant 0 : i32
      %dma_start3A_92 = arith.constant 0 : i32
      %dma_start3A_93 = tpu.memref_slice %arg19[%dma_start3A_91, %dma_start3A_92] : memref<128x128xf32, #tpu.memory_space<vmem>> -> memref<8x128xf32, #tpu.memory_space<vmem>>
      tpu.enqueue_dma source(%dma_start3A_93 : memref<8x128xf32, #tpu.memory_space<vmem>>) target(%dma_start3A_90 : memref<8x128xf32, #tpu.memory_space<vmem_shared>>) target_semaphore(%arg26 : memref<!tpu.dma_semaphore, #tpu.memory_space<semaphore_mem>>)
      %dma_wait3A = arith.constant 0 : i32
      %dma_wait3A_94 = tpu.memref_slice %arg6[%add3A_59, %dma_wait3A] : memref<10000x128xf32, #tpu.memory_space<vmem_shared>> -> memref<128x128xf32, #tpu.memory_space<vmem_shared>>
      %dma_wait3A_95 = arith.constant 0 : i32
      %dma_wait3A_96 = tpu.memref_slice %arg6[%add3A_59, %dma_wait3A_95] : memref<10000x128xf32, #tpu.memory_space<vmem_shared>> -> memref<128x128xf32, #tpu.memory_space<vmem_shared>>
      tpu.wait_dma2 semaphore(%arg25 : memref<!tpu.dma_semaphore, #tpu.memory_space<semaphore_mem>>) src(%arg19 : memref<128x128xf32, #tpu.memory_space<vmem>>) dst(%dma_wait3A_96 : memref<128x128xf32, #tpu.memory_space<vmem_shared>>)
      %dma_wait3A_97 = arith.constant 0 : i32
      %dma_wait3A_98 = tpu.memref_slice %arg6[%add3A_65, %dma_wait3A_97] : memref<10000x128xf32, #tpu.memory_space<vmem_shared>> -> memref<128x128xf32, #tpu.memory_space<vmem_shared>>
      %dma_wait3A_99 = arith.constant 0 : i32
      %dma_wait3A_100 = tpu.memref_slice %arg6[%add3A_65, %dma_wait3A_99] : memref<10000x128xf32, #tpu.memory_space<vmem_shared>> -> memref<128x128xf32, #tpu.memory_space<vmem_shared>>
      tpu.wait_dma2 semaphore(%arg25 : memref<!tpu.dma_semaphore, #tpu.memory_space<semaphore_mem>>) src(%arg19 : memref<128x128xf32, #tpu.memory_space<vmem>>) dst(%dma_wait3A_100 : memref<128x128xf32, #tpu.memory_space<vmem_shared>>)
      %dma_wait3A_101 = arith.constant 0 : i32
      %dma_wait3A_102 = tpu.memref_slice %arg6[%add3A_71, %dma_wait3A_101] : memref<10000x128xf32, #tpu.memory_space<vmem_shared>> -> memref<128x128xf32, #tpu.memory_space<vmem_shared>>
      %dma_wait3A_103 = arith.constant 0 : i32
      %dma_wait3A_104 = tpu.memref_slice %arg6[%add3A_71, %dma_wait3A_103] : memref<10000x128xf32, #tpu.memory_space<vmem_shared>> -> memref<128x128xf32, #tpu.memory_space<vmem_shared>>
      tpu.wait_dma2 semaphore(%arg25 : memref<!tpu.dma_semaphore, #tpu.memory_space<semaphore_mem>>) src(%arg19 : memref<128x128xf32, #tpu.memory_space<vmem>>) dst(%dma_wait3A_104 : memref<128x128xf32, #tpu.memory_space<vmem_shared>>)
      %dma_wait3A_105 = arith.constant 0 : i32
      %dma_wait3A_106 = tpu.memref_slice %arg6[%add3A_77, %dma_wait3A_105] : memref<10000x128xf32, #tpu.memory_space<vmem_shared>> -> memref<128x128xf32, #tpu.memory_space<vmem_shared>>
      %dma_wait3A_107 = arith.constant 0 : i32
      %dma_wait3A_108 = tpu.memref_slice %arg6[%add3A_77, %dma_wait3A_107] : memref<10000x128xf32, #tpu.memory_space<vmem_shared>> -> memref<128x128xf32, #tpu.memory_space<vmem_shared>>
      tpu.wait_dma2 semaphore(%arg25 : memref<!tpu.dma_semaphore, #tpu.memory_space<semaphore_mem>>) src(%arg19 : memref<128x128xf32, #tpu.memory_space<vmem>>) dst(%dma_wait3A_108 : memref<128x128xf32, #tpu.memory_space<vmem_shared>>)
      %dma_wait3A_109 = arith.constant 0 : i32
      %dma_wait3A_110 = arith.constant 0 : i32
      %dma_wait3A_111 = tpu.memref_slice %arg19[%dma_wait3A_109, %dma_wait3A_110] : memref<128x128xf32, #tpu.memory_space<vmem>> -> memref<8x128xf32, #tpu.memory_space<vmem>>
      %dma_wait3A_112 = arith.constant 0 : i32
      %dma_wait3A_113 = tpu.memref_slice %arg6[%add3A_83, %dma_wait3A_112] : memref<10000x128xf32, #tpu.memory_space<vmem_shared>> -> memref<8x128xf32, #tpu.memory_space<vmem_shared>>
      %dma_wait3A_114 = arith.constant 0 : i32
      %dma_wait3A_115 = tpu.memref_slice %arg6[%add3A_83, %dma_wait3A_114] : memref<10000x128xf32, #tpu.memory_space<vmem_shared>> -> memref<8x128xf32, #tpu.memory_space<vmem_shared>>
      %dma_wait3A_116 = arith.constant 0 : i32
      %dma_wait3A_117 = arith.constant 0 : i32
      %dma_wait3A_118 = tpu.memref_slice %arg19[%dma_wait3A_116, %dma_wait3A_117] : memref<128x128xf32, #tpu.memory_space<vmem>> -> memref<8x128xf32, #tpu.memory_space<vmem>>
      tpu.wait_dma2 semaphore(%arg26 : memref<!tpu.dma_semaphore, #tpu.memory_space<semaphore_mem>>) src(%dma_wait3A_118 : memref<8x128xf32, #tpu.memory_space<vmem>>) dst(%dma_wait3A_115 : memref<8x128xf32, #tpu.memory_space<vmem_shared>>)
    } else {
    }
    %barrier3A = arith.constant 0 : index
    tpu.barrier barrier_id(%barrier3A)
    %mul3A_13 = arith.constant 9984 : i32
    %mul3A_14 = arith.muli %add3A, %mul3A_13 : i32
    %add3A_15 = arith.constant 0 : i32
    %add3A_16 = arith.addi %mul3A_14, %add3A_15 : i32
    %dma_start3A = tpu.memref_slice %arg3[%add3A_16] : memref<320000xi32, #tpu.memory_space<hbm>> -> memref<128xi32, #tpu.memory_space<hbm>>
    %dma_start3A_17 = tpu.memref_slice %arg3[%add3A_16] : memref<320000xi32, #tpu.memory_space<hbm>> -> memref<128xi32, #tpu.memory_space<hbm>>
    tpu.enqueue_dma source(%dma_start3A_17 : memref<128xi32, #tpu.memory_space<hbm>>) target(%arg7 : memref<128xi32, #tpu.memory_space<vmem>>) target_semaphore(%arg25 : memref<!tpu.dma_semaphore, #tpu.memory_space<semaphore_mem>>)
    %add3A_18 = arith.constant 0 : i32
    %add3A_19 = arith.addi %mul3A_14, %add3A_18 : i32
    %dma_start3A_20 = tpu.memref_slice %arg4[%add3A_19] : memref<320000xi32, #tpu.memory_space<hbm>> -> memref<128xi32, #tpu.memory_space<hbm>>
    %dma_start3A_21 = tpu.memref_slice %arg4[%add3A_19] : memref<320000xi32, #tpu.memory_space<hbm>> -> memref<128xi32, #tpu.memory_space<hbm>>
    tpu.enqueue_dma source(%dma_start3A_21 : memref<128xi32, #tpu.memory_space<hbm>>) target(%arg8 : memref<128xi32, #tpu.memory_space<vmem>>) target_semaphore(%arg25 : memref<!tpu.dma_semaphore, #tpu.memory_space<semaphore_mem>>)
    %add3A_22 = arith.constant 128 : i32
    %add3A_23 = arith.addi %mul3A_14, %add3A_22 : i32
    %dma_start3A_24 = tpu.memref_slice %arg3[%add3A_23] : memref<320000xi32, #tpu.memory_space<hbm>> -> memref<128xi32, #tpu.memory_space<hbm>>
    %dma_start3A_25 = tpu.memref_slice %arg3[%add3A_23] : memref<320000xi32, #tpu.memory_space<hbm>> -> memref<128xi32, #tpu.memory_space<hbm>>
    tpu.enqueue_dma source(%dma_start3A_25 : memref<128xi32, #tpu.memory_space<hbm>>) target(%arg9 : memref<128xi32, #tpu.memory_space<vmem>>) target_semaphore(%arg25 : memref<!tpu.dma_semaphore, #tpu.memory_space<semaphore_mem>>)
    %add3A_26 = arith.constant 128 : i32
    %add3A_27 = arith.addi %mul3A_14, %add3A_26 : i32
    %dma_start3A_28 = tpu.memref_slice %arg4[%add3A_27] : memref<320000xi32, #tpu.memory_space<hbm>> -> memref<128xi32, #tpu.memory_space<hbm>>
    %dma_start3A_29 = tpu.memref_slice %arg4[%add3A_27] : memref<320000xi32, #tpu.memory_space<hbm>> -> memref<128xi32, #tpu.memory_space<hbm>>
    tpu.enqueue_dma source(%dma_start3A_29 : memref<128xi32, #tpu.memory_space<hbm>>) target(%arg10 : memref<128xi32, #tpu.memory_space<vmem>>) target_semaphore(%arg25 : memref<!tpu.dma_semaphore, #tpu.memory_space<semaphore_mem>>)
    %add3A_30 = arith.constant 256 : i32
    %add3A_31 = arith.addi %mul3A_14, %add3A_30 : i32
    %dma_start3A_32 = tpu.memref_slice %arg3[%add3A_31] : memref<320000xi32, #tpu.memory_space<hbm>> -> memref<128xi32, #tpu.memory_space<hbm>>
    %dma_start3A_33 = tpu.memref_slice %arg3[%add3A_31] : memref<320000xi32, #tpu.memory_space<hbm>> -> memref<128xi32, #tpu.memory_space<hbm>>
    tpu.enqueue_dma source(%dma_start3A_33 : memref<128xi32, #tpu.memory_space<hbm>>) target(%arg11 : memref<128xi32, #tpu.memory_space<vmem>>) target_semaphore(%arg25 : memref<!tpu.dma_semaphore, #tpu.memory_space<semaphore_mem>>)
    %add3A_34 = arith.constant 256 : i32
    %add3A_35 = arith.addi %mul3A_14, %add3A_34 : i32
    %dma_start3A_36 = tpu.memref_slice %arg4[%add3A_35] : memref<320000xi32, #tpu.memory_space<hbm>> -> memref<128xi32, #tpu.memory_space<hbm>>
    %dma_start3A_37 = tpu.memref_slice %arg4[%add3A_35] : memref<320000xi32, #tpu.memory_space<hbm>> -> memref<128xi32, #tpu.memory_space<hbm>>
    tpu.enqueue_dma source(%dma_start3A_37 : memref<128xi32, #tpu.memory_space<hbm>>) target(%arg12 : memref<128xi32, #tpu.memory_space<vmem>>) target_semaphore(%arg25 : memref<!tpu.dma_semaphore, #tpu.memory_space<semaphore_mem>>)
    %scan3A_38 = arith.constant 0 : i32
    %scan3A_39 = arith.constant 13 : i32
    %scan3A_40 = arith.addi %scan3A_38, %scan3A_39 : i32
    %scan3A_41 = arith.constant 1 : i32
    scf.for %scan3A_58 = %scan3A_38 to %scan3A_40 step %scan3A_41  : i32 {
      %mul3A_59 = arith.constant 1 : i32
      %mul3A_60 = arith.muli %scan3A_58, %mul3A_59 : i32
      %add3A_61 = arith.constant 0 : i32
      %add3A_62 = arith.addi %add3A_61, %mul3A_60 : i32
      %mul3A_63 = arith.constant 2 : i32
      %mul3A_64 = arith.muli %add3A_62, %mul3A_63 : i32
      %mul3A_65 = arith.constant 384 : i32
      %mul3A_66 = arith.muli %mul3A_64, %mul3A_65 : i32
      %add3A_67 = arith.addi %mul3A_14, %mul3A_66 : i32
      %add3A_68 = arith.constant 384 : i32
      %add3A_69 = arith.addi %add3A_67, %add3A_68 : i32
      %add3A_70 = arith.constant 0 : i32
      %add3A_71 = arith.addi %add3A_69, %add3A_70 : i32
      %dma_start3A_72 = tpu.memref_slice %arg3[%add3A_71] : memref<320000xi32, #tpu.memory_space<hbm>> -> memref<128xi32, #tpu.memory_space<hbm>>
      %dma_start3A_73 = tpu.memref_slice %arg3[%add3A_71] : memref<320000xi32, #tpu.memory_space<hbm>> -> memref<128xi32, #tpu.memory_space<hbm>>
      tpu.enqueue_dma source(%dma_start3A_73 : memref<128xi32, #tpu.memory_space<hbm>>) target(%arg13 : memref<128xi32, #tpu.memory_space<vmem>>) target_semaphore(%arg26 : memref<!tpu.dma_semaphore, #tpu.memory_space<semaphore_mem>>)
      %add3A_74 = arith.constant 0 : i32
      %add3A_75 = arith.addi %add3A_69, %add3A_74 : i32
      %dma_start3A_76 = tpu.memref_slice %arg4[%add3A_75] : memref<320000xi32, #tpu.memory_space<hbm>> -> memref<128xi32, #tpu.memory_space<hbm>>
      %dma_start3A_77 = tpu.memref_slice %arg4[%add3A_75] : memref<320000xi32, #tpu.memory_space<hbm>> -> memref<128xi32, #tpu.memory_space<hbm>>
      tpu.enqueue_dma source(%dma_start3A_77 : memref<128xi32, #tpu.memory_space<hbm>>) target(%arg14 : memref<128xi32, #tpu.memory_space<vmem>>) target_semaphore(%arg26 : memref<!tpu.dma_semaphore, #tpu.memory_space<semaphore_mem>>)
      %add3A_78 = arith.constant 128 : i32
      %add3A_79 = arith.addi %add3A_69, %add3A_78 : i32
      %dma_start3A_80 = tpu.memref_slice %arg3[%add3A_79] : memref<320000xi32, #tpu.memory_space<hbm>> -> memref<128xi32, #tpu.memory_space<hbm>>
      %dma_start3A_81 = tpu.memref_slice %arg3[%add3A_79] : memref<320000xi32, #tpu.memory_space<hbm>> -> memref<128xi32, #tpu.memory_space<hbm>>
      tpu.enqueue_dma source(%dma_start3A_81 : memref<128xi32, #tpu.memory_space<hbm>>) target(%arg15 : memref<128xi32, #tpu.memory_space<vmem>>) target_semaphore(%arg26 : memref<!tpu.dma_semaphore, #tpu.memory_space<semaphore_mem>>)
      %add3A_82 = arith.constant 128 : i32
      %add3A_83 = arith.addi %add3A_69, %add3A_82 : i32
      %dma_start3A_84 = tpu.memref_slice %arg4[%add3A_83] : memref<320000xi32, #tpu.memory_space<hbm>> -> memref<128xi32, #tpu.memory_space<hbm>>
      %dma_start3A_85 = tpu.memref_slice %arg4[%add3A_83] : memref<320000xi32, #tpu.memory_space<hbm>> -> memref<128xi32, #tpu.memory_space<hbm>>
      tpu.enqueue_dma source(%dma_start3A_85 : memref<128xi32, #tpu.memory_space<hbm>>) target(%arg16 : memref<128xi32, #tpu.memory_space<vmem>>) target_semaphore(%arg26 : memref<!tpu.dma_semaphore, #tpu.memory_space<semaphore_mem>>)
      %add3A_86 = arith.constant 256 : i32
      %add3A_87 = arith.addi %add3A_69, %add3A_86 : i32
      %dma_start3A_88 = tpu.memref_slice %arg3[%add3A_87] : memref<320000xi32, #tpu.memory_space<hbm>> -> memref<128xi32, #tpu.memory_space<hbm>>
      %dma_start3A_89 = tpu.memref_slice %arg3[%add3A_87] : memref<320000xi32, #tpu.memory_space<hbm>> -> memref<128xi32, #tpu.memory_space<hbm>>
      tpu.enqueue_dma source(%dma_start3A_89 : memref<128xi32, #tpu.memory_space<hbm>>) target(%arg17 : memref<128xi32, #tpu.memory_space<vmem>>) target_semaphore(%arg26 : memref<!tpu.dma_semaphore, #tpu.memory_space<semaphore_mem>>)
      %add3A_90 = arith.constant 256 : i32
      %add3A_91 = arith.addi %add3A_69, %add3A_90 : i32
      %dma_start3A_92 = tpu.memref_slice %arg4[%add3A_91] : memref<320000xi32, #tpu.memory_space<hbm>> -> memref<128xi32, #tpu.memory_space<hbm>>
      %dma_start3A_93 = tpu.memref_slice %arg4[%add3A_91] : memref<320000xi32, #tpu.memory_space<hbm>> -> memref<128xi32, #tpu.memory_space<hbm>>
      tpu.enqueue_dma source(%dma_start3A_93 : memref<128xi32, #tpu.memory_space<hbm>>) target(%arg18 : memref<128xi32, #tpu.memory_space<vmem>>) target_semaphore(%arg26 : memref<!tpu.dma_semaphore, #tpu.memory_space<semaphore_mem>>)
      %add3A_94 = arith.constant 0 : i32
      %add3A_95 = arith.addi %add3A_67, %add3A_94 : i32
      %dma_wait3A = tpu.memref_slice %arg3[%add3A_95] : memref<320000xi32, #tpu.memory_space<hbm>> -> memref<128xi32, #tpu.memory_space<hbm>>
      %dma_wait3A_96 = tpu.memref_slice %arg3[%add3A_95] : memref<320000xi32, #tpu.memory_space<hbm>> -> memref<128xi32, #tpu.memory_space<hbm>>
      tpu.wait_dma2 semaphore(%arg25 : memref<!tpu.dma_semaphore, #tpu.memory_space<semaphore_mem>>) src(%dma_wait3A_96 : memref<128xi32, #tpu.memory_space<hbm>>) dst(%arg7 : memref<128xi32, #tpu.memory_space<vmem>>)
      %add3A_97 = arith.constant 0 : i32
      %add3A_98 = arith.addi %add3A_67, %add3A_97 : i32
      %dma_wait3A_99 = tpu.memref_slice %arg4[%add3A_98] : memref<320000xi32, #tpu.memory_space<hbm>> -> memref<128xi32, #tpu.memory_space<hbm>>
      %dma_wait3A_100 = tpu.memref_slice %arg4[%add3A_98] : memref<320000xi32, #tpu.memory_space<hbm>> -> memref<128xi32, #tpu.memory_space<hbm>>
      tpu.wait_dma2 semaphore(%arg25 : memref<!tpu.dma_semaphore, #tpu.memory_space<semaphore_mem>>) src(%dma_wait3A_100 : memref<128xi32, #tpu.memory_space<hbm>>) dst(%arg8 : memref<128xi32, #tpu.memory_space<vmem>>)
      %add3A_101 = arith.constant 128 : i32
      %add3A_102 = arith.addi %add3A_67, %add3A_101 : i32
      %dma_wait3A_103 = tpu.memref_slice %arg3[%add3A_102] : memref<320000xi32, #tpu.memory_space<hbm>> -> memref<128xi32, #tpu.memory_space<hbm>>
      %dma_wait3A_104 = tpu.memref_slice %arg3[%add3A_102] : memref<320000xi32, #tpu.memory_space<hbm>> -> memref<128xi32, #tpu.memory_space<hbm>>
      tpu.wait_dma2 semaphore(%arg25 : memref<!tpu.dma_semaphore, #tpu.memory_space<semaphore_mem>>) src(%dma_wait3A_104 : memref<128xi32, #tpu.memory_space<hbm>>) dst(%arg9 : memref<128xi32, #tpu.memory_space<vmem>>)
      %add3A_105 = arith.constant 128 : i32
      %add3A_106 = arith.addi %add3A_67, %add3A_105 : i32
      %dma_wait3A_107 = tpu.memref_slice %arg4[%add3A_106] : memref<320000xi32, #tpu.memory_space<hbm>> -> memref<128xi32, #tpu.memory_space<hbm>>
      %dma_wait3A_108 = tpu.memref_slice %arg4[%add3A_106] : memref<320000xi32, #tpu.memory_space<hbm>> -> memref<128xi32, #tpu.memory_space<hbm>>
      tpu.wait_dma2 semaphore(%arg25 : memref<!tpu.dma_semaphore, #tpu.memory_space<semaphore_mem>>) src(%dma_wait3A_108 : memref<128xi32, #tpu.memory_space<hbm>>) dst(%arg10 : memref<128xi32, #tpu.memory_space<vmem>>)
      %add3A_109 = arith.constant 256 : i32
      %add3A_110 = arith.addi %add3A_67, %add3A_109 : i32
      %dma_wait3A_111 = tpu.memref_slice %arg3[%add3A_110] : memref<320000xi32, #tpu.memory_space<hbm>> -> memref<128xi32, #tpu.memory_space<hbm>>
      %dma_wait3A_112 = tpu.memref_slice %arg3[%add3A_110] : memref<320000xi32, #tpu.memory_space<hbm>> -> memref<128xi32, #tpu.memory_space<hbm>>
      tpu.wait_dma2 semaphore(%arg25 : memref<!tpu.dma_semaphore, #tpu.memory_space<semaphore_mem>>) src(%dma_wait3A_112 : memref<128xi32, #tpu.memory_space<hbm>>) dst(%arg11 : memref<128xi32, #tpu.memory_space<vmem>>)
      %add3A_113 = arith.constant 256 : i32
      %add3A_114 = arith.addi %add3A_67, %add3A_113 : i32
      %dma_wait3A_115 = tpu.memref_slice %arg4[%add3A_114] : memref<320000xi32, #tpu.memory_space<hbm>> -> memref<128xi32, #tpu.memory_space<hbm>>
      %dma_wait3A_116 = tpu.memref_slice %arg4[%add3A_114] : memref<320000xi32, #tpu.memory_space<hbm>> -> memref<128xi32, #tpu.memory_space<hbm>>
      tpu.wait_dma2 semaphore(%arg25 : memref<!tpu.dma_semaphore, #tpu.memory_space<semaphore_mem>>) src(%dma_wait3A_116 : memref<128xi32, #tpu.memory_space<hbm>>) dst(%arg12 : memref<128xi32, #tpu.memory_space<vmem>>)
      %dma_start3A_117 = arith.constant 0 : i32
      %dma_start3A_118 = arith.constant 0 : i32
      %dma_start3A_119 = tpu.memref_slice %arg2[%dma_start3A_117, %dma_start3A_118] : memref<10000x128xf32, #tpu.memory_space<hbm>> -> memref<10000x128xf32, #tpu.memory_space<hbm>>
      tpu.enqueue_indirect_dma source(%dma_start3A_119 : memref<10000x128xf32, #tpu.memory_space<hbm>>) target(%arg19 : memref<128x128xf32, #tpu.memory_space<vmem>>) offsets(%arg7 : memref<128xi32, #tpu.memory_space<vmem>>) semaphore(%arg22 : memref<!tpu.dma_semaphore, #tpu.memory_space<semaphore_mem>>)
      %dma_start3A_120 = arith.constant 0 : i32
      %dma_start3A_121 = arith.constant 0 : i32
      %dma_start3A_122 = tpu.memref_slice %arg2[%dma_start3A_120, %dma_start3A_121] : memref<10000x128xf32, #tpu.memory_space<hbm>> -> memref<10000x128xf32, #tpu.memory_space<hbm>>
      tpu.enqueue_indirect_dma source(%dma_start3A_122 : memref<10000x128xf32, #tpu.memory_space<hbm>>) target(%arg20 : memref<128x128xf32, #tpu.memory_space<vmem>>) offsets(%arg9 : memref<128xi32, #tpu.memory_space<vmem>>) semaphore(%arg23 : memref<!tpu.dma_semaphore, #tpu.memory_space<semaphore_mem>>)
      %dma_start3A_123 = arith.constant 0 : i32
      %dma_start3A_124 = arith.constant 0 : i32
      %dma_start3A_125 = tpu.memref_slice %arg2[%dma_start3A_123, %dma_start3A_124] : memref<10000x128xf32, #tpu.memory_space<hbm>> -> memref<10000x128xf32, #tpu.memory_space<hbm>>
      tpu.enqueue_indirect_dma source(%dma_start3A_125 : memref<10000x128xf32, #tpu.memory_space<hbm>>) target(%arg21 : memref<128x128xf32, #tpu.memory_space<vmem>>) offsets(%arg11 : memref<128xi32, #tpu.memory_space<vmem>>) semaphore(%arg24 : memref<!tpu.dma_semaphore, #tpu.memory_space<semaphore_mem>>)
      %dma_wait3A_126 = arith.constant 0 : i32
      %dma_wait3A_127 = arith.constant 0 : i32
      %dma_wait3A_128 = tpu.memref_slice %arg2[%dma_wait3A_126, %dma_wait3A_127] : memref<10000x128xf32, #tpu.memory_space<hbm>> -> memref<10000x128xf32, #tpu.memory_space<hbm>>
      tpu.wait_indirect_dma semaphore(%arg22 : memref<!tpu.dma_semaphore, #tpu.memory_space<semaphore_mem>>) src(%dma_wait3A_128 : memref<10000x128xf32, #tpu.memory_space<hbm>>) dst(%arg19 : memref<128x128xf32, #tpu.memory_space<vmem>>)
      "tpu.region"() ({
        %run_scoped3A = tpu.sem_alloc : memref<!tpu.dma_semaphore, #tpu.memory_space<semaphore_mem>>
        %dma_start3A_182 = arith.constant 0 : i32
        %dma_start3A_183 = arith.constant 0 : i32
        %dma_start3A_184 = tpu.memref_slice %arg6[%dma_start3A_182, %dma_start3A_183] : memref<10000x128xf32, #tpu.memory_space<vmem_shared>> -> memref<10000x128xf32, #tpu.memory_space<vmem_shared>>
        tpu.enqueue_indirect_dma source(%arg19 : memref<128x128xf32, #tpu.memory_space<vmem>>) target(%dma_start3A_184 : memref<10000x128xf32, #tpu.memory_space<vmem_shared>>) offsets(%arg8 : memref<128xi32, #tpu.memory_space<vmem>>) semaphore(%run_scoped3A : memref<!tpu.dma_semaphore, #tpu.memory_space<semaphore_mem>>) {add = true}
        %dma_wait3A_185 = arith.constant 0 : i32
        %dma_wait3A_186 = arith.constant 0 : i32
        %dma_wait3A_187 = tpu.memref_slice %arg6[%dma_wait3A_185, %dma_wait3A_186] : memref<10000x128xf32, #tpu.memory_space<vmem_shared>> -> memref<10000x128xf32, #tpu.memory_space<vmem_shared>>
        tpu.wait_indirect_dma semaphore(%run_scoped3A : memref<!tpu.dma_semaphore, #tpu.memory_space<semaphore_mem>>) src(%arg19 : memref<128x128xf32, #tpu.memory_space<vmem>>) dst(%dma_wait3A_187 : memref<10000x128xf32, #tpu.memory_space<vmem_shared>>)
        tpu.yield
      }) : () -> ()
      %dma_wait3A_129 = arith.constant 0 : i32
      %dma_wait3A_130 = arith.constant 0 : i32
      %dma_wait3A_131 = tpu.memref_slice %arg2[%dma_wait3A_129, %dma_wait3A_130] : memref<10000x128xf32, #tpu.memory_space<hbm>> -> memref<10000x128xf32, #tpu.memory_space<hbm>>
      tpu.wait_indirect_dma semaphore(%arg23 : memref<!tpu.dma_semaphore, #tpu.memory_space<semaphore_mem>>) src(%dma_wait3A_131 : memref<10000x128xf32, #tpu.memory_space<hbm>>) dst(%arg20 : memref<128x128xf32, #tpu.memory_space<vmem>>)
      "tpu.region"() ({
        %run_scoped3A = tpu.sem_alloc : memref<!tpu.dma_semaphore, #tpu.memory_space<semaphore_mem>>
        %dma_start3A_182 = arith.constant 0 : i32
        %dma_start3A_183 = arith.constant 0 : i32
        %dma_start3A_184 = tpu.memref_slice %arg6[%dma_start3A_182, %dma_start3A_183] : memref<10000x128xf32, #tpu.memory_space<vmem_shared>> -> memref<10000x128xf32, #tpu.memory_space<vmem_shared>>
        tpu.enqueue_indirect_dma source(%arg20 : memref<128x128xf32, #tpu.memory_space<vmem>>) target(%dma_start3A_184 : memref<10000x128xf32, #tpu.memory_space<vmem_shared>>) offsets(%arg10 : memref<128xi32, #tpu.memory_space<vmem>>) semaphore(%run_scoped3A : memref<!tpu.dma_semaphore, #tpu.memory_space<semaphore_mem>>) {add = true}
        %dma_wait3A_185 = arith.constant 0 : i32
        %dma_wait3A_186 = arith.constant 0 : i32
        %dma_wait3A_187 = tpu.memref_slice %arg6[%dma_wait3A_185, %dma_wait3A_186] : memref<10000x128xf32, #tpu.memory_space<vmem_shared>> -> memref<10000x128xf32, #tpu.memory_space<vmem_shared>>
        tpu.wait_indirect_dma semaphore(%run_scoped3A : memref<!tpu.dma_semaphore, #tpu.memory_space<semaphore_mem>>) src(%arg20 : memref<128x128xf32, #tpu.memory_space<vmem>>) dst(%dma_wait3A_187 : memref<10000x128xf32, #tpu.memory_space<vmem_shared>>)
        tpu.yield
      }) : () -> ()
      %dma_wait3A_132 = arith.constant 0 : i32
      %dma_wait3A_133 = arith.constant 0 : i32
      %dma_wait3A_134 = tpu.memref_slice %arg2[%dma_wait3A_132, %dma_wait3A_133] : memref<10000x128xf32, #tpu.memory_space<hbm>> -> memref<10000x128xf32, #tpu.memory_space<hbm>>
      tpu.wait_indirect_dma semaphore(%arg24 : memref<!tpu.dma_semaphore, #tpu.memory_space<semaphore_mem>>) src(%dma_wait3A_134 : memref<10000x128xf32, #tpu.memory_space<hbm>>) dst(%arg21 : memref<128x128xf32, #tpu.memory_space<vmem>>)
      "tpu.region"() ({
        %run_scoped3A = tpu.sem_alloc : memref<!tpu.dma_semaphore, #tpu.memory_space<semaphore_mem>>
        %dma_start3A_182 = arith.constant 0 : i32
        %dma_start3A_183 = arith.constant 0 : i32
        %dma_start3A_184 = tpu.memref_slice %arg6[%dma_start3A_182, %dma_start3A_183] : memref<10000x128xf32, #tpu.memory_space<vmem_shared>> -> memref<10000x128xf32, #tpu.memory_space<vmem_shared>>
        tpu.enqueue_indirect_dma source(%arg21 : memref<128x128xf32, #tpu.memory_space<vmem>>) target(%dma_start3A_184 : memref<10000x128xf32, #tpu.memory_space<vmem_shared>>) offsets(%arg12 : memref<128xi32, #tpu.memory_space<vmem>>) semaphore(%run_scoped3A : memref<!tpu.dma_semaphore, #tpu.memory_space<semaphore_mem>>) {add = true}
        %dma_wait3A_185 = arith.constant 0 : i32
        %dma_wait3A_186 = arith.constant 0 : i32
        %dma_wait3A_187 = tpu.memref_slice %arg6[%dma_wait3A_185, %dma_wait3A_186] : memref<10000x128xf32, #tpu.memory_space<vmem_shared>> -> memref<10000x128xf32, #tpu.memory_space<vmem_shared>>
        tpu.wait_indirect_dma semaphore(%run_scoped3A : memref<!tpu.dma_semaphore, #tpu.memory_space<semaphore_mem>>) src(%arg21 : memref<128x128xf32, #tpu.memory_space<vmem>>) dst(%dma_wait3A_187 : memref<10000x128xf32, #tpu.memory_space<vmem_shared>>)
        tpu.yield
      }) : () -> ()
      %lt3A_135 = arith.constant 12 : i32
      %lt3A_136 = arith.cmpi slt, %add3A_62, %lt3A_135 : i32
      %convert_element_type3A_137 = arith.extui %lt3A_136 : i1 to i32
      %cond3A_138 = arith.constant 0 : i32
      %cond3A_139 = arith.cmpi ne, %convert_element_type3A_137, %cond3A_138 : i32
      scf.if %cond3A_139 {
        %add3A_182 = arith.constant 768 : i32
        %add3A_183 = arith.addi %add3A_67, %add3A_182 : i32
        %add3A_184 = arith.constant 0 : i32
        %add3A_185 = arith.addi %add3A_183, %add3A_184 : i32
        %dma_start3A_186 = tpu.memref_slice %arg3[%add3A_185] : memref<320000xi32, #tpu.memory_space<hbm>> -> memref<128xi32, #tpu.memory_space<hbm>>
        %dma_start3A_187 = tpu.memref_slice %arg3[%add3A_185] : memref<320000xi32, #tpu.memory_space<hbm>> -> memref<128xi32, #tpu.memory_space<hbm>>
        tpu.enqueue_dma source(%dma_start3A_187 : memref<128xi32, #tpu.memory_space<hbm>>) target(%arg7 : memref<128xi32, #tpu.memory_space<vmem>>) target_semaphore(%arg25 : memref<!tpu.dma_semaphore, #tpu.memory_space<semaphore_mem>>)
        %add3A_188 = arith.constant 0 : i32
        %add3A_189 = arith.addi %add3A_183, %add3A_188 : i32
        %dma_start3A_190 = tpu.memref_slice %arg4[%add3A_189] : memref<320000xi32, #tpu.memory_space<hbm>> -> memref<128xi32, #tpu.memory_space<hbm>>
        %dma_start3A_191 = tpu.memref_slice %arg4[%add3A_189] : memref<320000xi32, #tpu.memory_space<hbm>> -> memref<128xi32, #tpu.memory_space<hbm>>
        tpu.enqueue_dma source(%dma_start3A_191 : memref<128xi32, #tpu.memory_space<hbm>>) target(%arg8 : memref<128xi32, #tpu.memory_space<vmem>>) target_semaphore(%arg25 : memref<!tpu.dma_semaphore, #tpu.memory_space<semaphore_mem>>)
        %add3A_192 = arith.constant 128 : i32
        %add3A_193 = arith.addi %add3A_183, %add3A_192 : i32
        %dma_start3A_194 = tpu.memref_slice %arg3[%add3A_193] : memref<320000xi32, #tpu.memory_space<hbm>> -> memref<128xi32, #tpu.memory_space<hbm>>
        %dma_start3A_195 = tpu.memref_slice %arg3[%add3A_193] : memref<320000xi32, #tpu.memory_space<hbm>> -> memref<128xi32, #tpu.memory_space<hbm>>
        tpu.enqueue_dma source(%dma_start3A_195 : memref<128xi32, #tpu.memory_space<hbm>>) target(%arg9 : memref<128xi32, #tpu.memory_space<vmem>>) target_semaphore(%arg25 : memref<!tpu.dma_semaphore, #tpu.memory_space<semaphore_mem>>)
        %add3A_196 = arith.constant 128 : i32
        %add3A_197 = arith.addi %add3A_183, %add3A_196 : i32
        %dma_start3A_198 = tpu.memref_slice %arg4[%add3A_197] : memref<320000xi32, #tpu.memory_space<hbm>> -> memref<128xi32, #tpu.memory_space<hbm>>
        %dma_start3A_199 = tpu.memref_slice %arg4[%add3A_197] : memref<320000xi32, #tpu.memory_space<hbm>> -> memref<128xi32, #tpu.memory_space<hbm>>
        tpu.enqueue_dma source(%dma_start3A_199 : memref<128xi32, #tpu.memory_space<hbm>>) target(%arg10 : memref<128xi32, #tpu.memory_space<vmem>>) target_semaphore(%arg25 : memref<!tpu.dma_semaphore, #tpu.memory_space<semaphore_mem>>)
        %add3A_200 = arith.constant 256 : i32
        %add3A_201 = arith.addi %add3A_183, %add3A_200 : i32
        %dma_start3A_202 = tpu.memref_slice %arg3[%add3A_201] : memref<320000xi32, #tpu.memory_space<hbm>> -> memref<128xi32, #tpu.memory_space<hbm>>
        %dma_start3A_203 = tpu.memref_slice %arg3[%add3A_201] : memref<320000xi32, #tpu.memory_space<hbm>> -> memref<128xi32, #tpu.memory_space<hbm>>
        tpu.enqueue_dma source(%dma_start3A_203 : memref<128xi32, #tpu.memory_space<hbm>>) target(%arg11 : memref<128xi32, #tpu.memory_space<vmem>>) target_semaphore(%arg25 : memref<!tpu.dma_semaphore, #tpu.memory_space<semaphore_mem>>)
        %add3A_204 = arith.constant 256 : i32
        %add3A_205 = arith.addi %add3A_183, %add3A_204 : i32
        %dma_start3A_206 = tpu.memref_slice %arg4[%add3A_205] : memref<320000xi32, #tpu.memory_space<hbm>> -> memref<128xi32, #tpu.memory_space<hbm>>
        %dma_start3A_207 = tpu.memref_slice %arg4[%add3A_205] : memref<320000xi32, #tpu.memory_space<hbm>> -> memref<128xi32, #tpu.memory_space<hbm>>
        tpu.enqueue_dma source(%dma_start3A_207 : memref<128xi32, #tpu.memory_space<hbm>>) target(%arg12 : memref<128xi32, #tpu.memory_space<vmem>>) target_semaphore(%arg25 : memref<!tpu.dma_semaphore, #tpu.memory_space<semaphore_mem>>)
      } else {
      }
      %add3A_140 = arith.constant 0 : i32
      %add3A_141 = arith.addi %add3A_69, %add3A_140 : i32
      %dma_wait3A_142 = tpu.memref_slice %arg3[%add3A_141] : memref<320000xi32, #tpu.memory_space<hbm>> -> memref<128xi32, #tpu.memory_space<hbm>>
      %dma_wait3A_143 = tpu.memref_slice %arg3[%add3A_141] : memref<320000xi32, #tpu.memory_space<hbm>> -> memref<128xi32, #tpu.memory_space<hbm>>
      tpu.wait_dma2 semaphore(%arg26 : memref<!tpu.dma_semaphore, #tpu.memory_space<semaphore_mem>>) src(%dma_wait3A_143 : memref<128xi32, #tpu.memory_space<hbm>>) dst(%arg13 : memref<128xi32, #tpu.memory_space<vmem>>)
      %add3A_144 = arith.constant 0 : i32
      %add3A_145 = arith.addi %add3A_69, %add3A_144 : i32
      %dma_wait3A_146 = tpu.memref_slice %arg4[%add3A_145] : memref<320000xi32, #tpu.memory_space<hbm>> -> memref<128xi32, #tpu.memory_space<hbm>>
      %dma_wait3A_147 = tpu.memref_slice %arg4[%add3A_145] : memref<320000xi32, #tpu.memory_space<hbm>> -> memref<128xi32, #tpu.memory_space<hbm>>
      tpu.wait_dma2 semaphore(%arg26 : memref<!tpu.dma_semaphore, #tpu.memory_space<semaphore_mem>>) src(%dma_wait3A_147 : memref<128xi32, #tpu.memory_space<hbm>>) dst(%arg14 : memref<128xi32, #tpu.memory_space<vmem>>)
      %add3A_148 = arith.constant 128 : i32
      %add3A_149 = arith.addi %add3A_69, %add3A_148 : i32
      %dma_wait3A_150 = tpu.memref_slice %arg3[%add3A_149] : memref<320000xi32, #tpu.memory_space<hbm>> -> memref<128xi32, #tpu.memory_space<hbm>>
      %dma_wait3A_151 = tpu.memref_slice %arg3[%add3A_149] : memref<320000xi32, #tpu.memory_space<hbm>> -> memref<128xi32, #tpu.memory_space<hbm>>
      tpu.wait_dma2 semaphore(%arg26 : memref<!tpu.dma_semaphore, #tpu.memory_space<semaphore_mem>>) src(%dma_wait3A_151 : memref<128xi32, #tpu.memory_space<hbm>>) dst(%arg15 : memref<128xi32, #tpu.memory_space<vmem>>)
      %add3A_152 = arith.constant 128 : i32
      %add3A_153 = arith.addi %add3A_69, %add3A_152 : i32
      %dma_wait3A_154 = tpu.memref_slice %arg4[%add3A_153] : memref<320000xi32, #tpu.memory_space<hbm>> -> memref<128xi32, #tpu.memory_space<hbm>>
      %dma_wait3A_155 = tpu.memref_slice %arg4[%add3A_153] : memref<320000xi32, #tpu.memory_space<hbm>> -> memref<128xi32, #tpu.memory_space<hbm>>
      tpu.wait_dma2 semaphore(%arg26 : memref<!tpu.dma_semaphore, #tpu.memory_space<semaphore_mem>>) src(%dma_wait3A_155 : memref<128xi32, #tpu.memory_space<hbm>>) dst(%arg16 : memref<128xi32, #tpu.memory_space<vmem>>)
      %add3A_156 = arith.constant 256 : i32
      %add3A_157 = arith.addi %add3A_69, %add3A_156 : i32
      %dma_wait3A_158 = tpu.memref_slice %arg3[%add3A_157] : memref<320000xi32, #tpu.memory_space<hbm>> -> memref<128xi32, #tpu.memory_space<hbm>>
      %dma_wait3A_159 = tpu.memref_slice %arg3[%add3A_157] : memref<320000xi32, #tpu.memory_space<hbm>> -> memref<128xi32, #tpu.memory_space<hbm>>
      tpu.wait_dma2 semaphore(%arg26 : memref<!tpu.dma_semaphore, #tpu.memory_space<semaphore_mem>>) src(%dma_wait3A_159 : memref<128xi32, #tpu.memory_space<hbm>>) dst(%arg17 : memref<128xi32, #tpu.memory_space<vmem>>)
      %add3A_160 = arith.constant 256 : i32
      %add3A_161 = arith.addi %add3A_69, %add3A_160 : i32
      %dma_wait3A_162 = tpu.memref_slice %arg4[%add3A_161] : memref<320000xi32, #tpu.memory_space<hbm>> -> memref<128xi32, #tpu.memory_space<hbm>>
      %dma_wait3A_163 = tpu.memref_slice %arg4[%add3A_161] : memref<320000xi32, #tpu.memory_space<hbm>> -> memref<128xi32, #tpu.memory_space<hbm>>
      tpu.wait_dma2 semaphore(%arg26 : memref<!tpu.dma_semaphore, #tpu.memory_space<semaphore_mem>>) src(%dma_wait3A_163 : memref<128xi32, #tpu.memory_space<hbm>>) dst(%arg18 : memref<128xi32, #tpu.memory_space<vmem>>)
      %dma_start3A_164 = arith.constant 0 : i32
      %dma_start3A_165 = arith.constant 0 : i32
      %dma_start3A_166 = tpu.memref_slice %arg2[%dma_start3A_164, %dma_start3A_165] : memref<10000x128xf32, #tpu.memory_space<hbm>> -> memref<10000x128xf32, #tpu.memory_space<hbm>>
      tpu.enqueue_indirect_dma source(%dma_start3A_166 : memref<10000x128xf32, #tpu.memory_space<hbm>>) target(%arg19 : memref<128x128xf32, #tpu.memory_space<vmem>>) offsets(%arg13 : memref<128xi32, #tpu.memory_space<vmem>>) semaphore(%arg22 : memref<!tpu.dma_semaphore, #tpu.memory_space<semaphore_mem>>)
      %dma_start3A_167 = arith.constant 0 : i32
      %dma_start3A_168 = arith.constant 0 : i32
      %dma_start3A_169 = tpu.memref_slice %arg2[%dma_start3A_167, %dma_start3A_168] : memref<10000x128xf32, #tpu.memory_space<hbm>> -> memref<10000x128xf32, #tpu.memory_space<hbm>>
      tpu.enqueue_indirect_dma source(%dma_start3A_169 : memref<10000x128xf32, #tpu.memory_space<hbm>>) target(%arg20 : memref<128x128xf32, #tpu.memory_space<vmem>>) offsets(%arg15 : memref<128xi32, #tpu.memory_space<vmem>>) semaphore(%arg23 : memref<!tpu.dma_semaphore, #tpu.memory_space<semaphore_mem>>)
      %dma_start3A_170 = arith.constant 0 : i32
      %dma_start3A_171 = arith.constant 0 : i32
      %dma_start3A_172 = tpu.memref_slice %arg2[%dma_start3A_170, %dma_start3A_171] : memref<10000x128xf32, #tpu.memory_space<hbm>> -> memref<10000x128xf32, #tpu.memory_space<hbm>>
      tpu.enqueue_indirect_dma source(%dma_start3A_172 : memref<10000x128xf32, #tpu.memory_space<hbm>>) target(%arg21 : memref<128x128xf32, #tpu.memory_space<vmem>>) offsets(%arg17 : memref<128xi32, #tpu.memory_space<vmem>>) semaphore(%arg24 : memref<!tpu.dma_semaphore, #tpu.memory_space<semaphore_mem>>)
      %dma_wait3A_173 = arith.constant 0 : i32
      %dma_wait3A_174 = arith.constant 0 : i32
      %dma_wait3A_175 = tpu.memref_slice %arg2[%dma_wait3A_173, %dma_wait3A_174] : memref<10000x128xf32, #tpu.memory_space<hbm>> -> memref<10000x128xf32, #tpu.memory_space<hbm>>
      tpu.wait_indirect_dma semaphore(%arg22 : memref<!tpu.dma_semaphore, #tpu.memory_space<semaphore_mem>>) src(%dma_wait3A_175 : memref<10000x128xf32, #tpu.memory_space<hbm>>) dst(%arg19 : memref<128x128xf32, #tpu.memory_space<vmem>>)
      "tpu.region"() ({
        %run_scoped3A = tpu.sem_alloc : memref<!tpu.dma_semaphore, #tpu.memory_space<semaphore_mem>>
        %dma_start3A_182 = arith.constant 0 : i32
        %dma_start3A_183 = arith.constant 0 : i32
        %dma_start3A_184 = tpu.memref_slice %arg6[%dma_start3A_182, %dma_start3A_183] : memref<10000x128xf32, #tpu.memory_space<vmem_shared>> -> memref<10000x128xf32, #tpu.memory_space<vmem_shared>>
        tpu.enqueue_indirect_dma source(%arg19 : memref<128x128xf32, #tpu.memory_space<vmem>>) target(%dma_start3A_184 : memref<10000x128xf32, #tpu.memory_space<vmem_shared>>) offsets(%arg14 : memref<128xi32, #tpu.memory_space<vmem>>) semaphore(%run_scoped3A : memref<!tpu.dma_semaphore, #tpu.memory_space<semaphore_mem>>) {add = true}
        %dma_wait3A_185 = arith.constant 0 : i32
        %dma_wait3A_186 = arith.constant 0 : i32
        %dma_wait3A_187 = tpu.memref_slice %arg6[%dma_wait3A_185, %dma_wait3A_186] : memref<10000x128xf32, #tpu.memory_space<vmem_shared>> -> memref<10000x128xf32, #tpu.memory_space<vmem_shared>>
        tpu.wait_indirect_dma semaphore(%run_scoped3A : memref<!tpu.dma_semaphore, #tpu.memory_space<semaphore_mem>>) src(%arg19 : memref<128x128xf32, #tpu.memory_space<vmem>>) dst(%dma_wait3A_187 : memref<10000x128xf32, #tpu.memory_space<vmem_shared>>)
        tpu.yield
      }) : () -> ()
      %dma_wait3A_176 = arith.constant 0 : i32
      %dma_wait3A_177 = arith.constant 0 : i32
      %dma_wait3A_178 = tpu.memref_slice %arg2[%dma_wait3A_176, %dma_wait3A_177] : memref<10000x128xf32, #tpu.memory_space<hbm>> -> memref<10000x128xf32, #tpu.memory_space<hbm>>
      tpu.wait_indirect_dma semaphore(%arg23 : memref<!tpu.dma_semaphore, #tpu.memory_space<semaphore_mem>>) src(%dma_wait3A_178 : memref<10000x128xf32, #tpu.memory_space<hbm>>) dst(%arg20 : memref<128x128xf32, #tpu.memory_space<vmem>>)
      "tpu.region"() ({
        %run_scoped3A = tpu.sem_alloc : memref<!tpu.dma_semaphore, #tpu.memory_space<semaphore_mem>>
        %dma_start3A_182 = arith.constant 0 : i32
        %dma_start3A_183 = arith.constant 0 : i32
        %dma_start3A_184 = tpu.memref_slice %arg6[%dma_start3A_182, %dma_start3A_183] : memref<10000x128xf32, #tpu.memory_space<vmem_shared>> -> memref<10000x128xf32, #tpu.memory_space<vmem_shared>>
        tpu.enqueue_indirect_dma source(%arg20 : memref<128x128xf32, #tpu.memory_space<vmem>>) target(%dma_start3A_184 : memref<10000x128xf32, #tpu.memory_space<vmem_shared>>) offsets(%arg16 : memref<128xi32, #tpu.memory_space<vmem>>) semaphore(%run_scoped3A : memref<!tpu.dma_semaphore, #tpu.memory_space<semaphore_mem>>) {add = true}
        %dma_wait3A_185 = arith.constant 0 : i32
        %dma_wait3A_186 = arith.constant 0 : i32
        %dma_wait3A_187 = tpu.memref_slice %arg6[%dma_wait3A_185, %dma_wait3A_186] : memref<10000x128xf32, #tpu.memory_space<vmem_shared>> -> memref<10000x128xf32, #tpu.memory_space<vmem_shared>>
        tpu.wait_indirect_dma semaphore(%run_scoped3A : memref<!tpu.dma_semaphore, #tpu.memory_space<semaphore_mem>>) src(%arg20 : memref<128x128xf32, #tpu.memory_space<vmem>>) dst(%dma_wait3A_187 : memref<10000x128xf32, #tpu.memory_space<vmem_shared>>)
        tpu.yield
      }) : () -> ()
      %dma_wait3A_179 = arith.constant 0 : i32
      %dma_wait3A_180 = arith.constant 0 : i32
      %dma_wait3A_181 = tpu.memref_slice %arg2[%dma_wait3A_179, %dma_wait3A_180] : memref<10000x128xf32, #tpu.memory_space<hbm>> -> memref<10000x128xf32, #tpu.memory_space<hbm>>
      tpu.wait_indirect_dma semaphore(%arg24 : memref<!tpu.dma_semaphore, #tpu.memory_space<semaphore_mem>>) src(%dma_wait3A_181 : memref<10000x128xf32, #tpu.memory_space<hbm>>) dst(%arg21 : memref<128x128xf32, #tpu.memory_space<vmem>>)
      "tpu.region"() ({
        %run_scoped3A = tpu.sem_alloc : memref<!tpu.dma_semaphore, #tpu.memory_space<semaphore_mem>>
        %dma_start3A_182 = arith.constant 0 : i32
        %dma_start3A_183 = arith.constant 0 : i32
        %dma_start3A_184 = tpu.memref_slice %arg6[%dma_start3A_182, %dma_start3A_183] : memref<10000x128xf32, #tpu.memory_space<vmem_shared>> -> memref<10000x128xf32, #tpu.memory_space<vmem_shared>>
        tpu.enqueue_indirect_dma source(%arg21 : memref<128x128xf32, #tpu.memory_space<vmem>>) target(%dma_start3A_184 : memref<10000x128xf32, #tpu.memory_space<vmem_shared>>) offsets(%arg18 : memref<128xi32, #tpu.memory_space<vmem>>) semaphore(%run_scoped3A : memref<!tpu.dma_semaphore, #tpu.memory_space<semaphore_mem>>) {add = true}
        %dma_wait3A_185 = arith.constant 0 : i32
        %dma_wait3A_186 = arith.constant 0 : i32
        %dma_wait3A_187 = tpu.memref_slice %arg6[%dma_wait3A_185, %dma_wait3A_186] : memref<10000x128xf32, #tpu.memory_space<vmem_shared>> -> memref<10000x128xf32, #tpu.memory_space<vmem_shared>>
        tpu.wait_indirect_dma semaphore(%run_scoped3A : memref<!tpu.dma_semaphore, #tpu.memory_space<semaphore_mem>>) src(%arg21 : memref<128x128xf32, #tpu.memory_space<vmem>>) dst(%dma_wait3A_187 : memref<10000x128xf32, #tpu.memory_space<vmem_shared>>)
        tpu.yield
      }) : () -> ()
    }
    %scan3A_42 = arith.constant 13 : i32
    %ge3A = arith.constant 28 : i32
    %ge3A_43 = arith.cmpi sge, %add3A, %ge3A : i32
    %convert_element_type3A_44 = arith.extui %ge3A_43 : i1 to i32
    %cond3A_45 = arith.constant 0 : i32
    %cond3A_46 = arith.cmpi ne, %convert_element_type3A_44, %cond3A_45 : i32
    scf.if %cond3A_46 {
      %sub3A = arith.constant 28 : i32
      %sub3A_58 = arith.subi %add3A, %sub3A : i32
      %add3A_59 = arith.constant 2496 : i32
      %add3A_60 = arith.addi %add3A_59, %sub3A_58 : i32
      %mul3A_61 = arith.constant 128 : i32
      %mul3A_62 = arith.muli %add3A_60, %mul3A_61 : i32
      "tpu.region"() ({
        %run_scoped3A = tpu.sem_alloc : memref<!tpu.dma_semaphore, #tpu.memory_space<semaphore_mem>>
        %dma_start3A_68 = tpu.memref_slice %arg3[%mul3A_62] : memref<320000xi32, #tpu.memory_space<hbm>> -> memref<128xi32, #tpu.memory_space<hbm>>
        %dma_start3A_69 = tpu.memref_slice %arg3[%mul3A_62] : memref<320000xi32, #tpu.memory_space<hbm>> -> memref<128xi32, #tpu.memory_space<hbm>>
        tpu.enqueue_dma source(%dma_start3A_69 : memref<128xi32, #tpu.memory_space<hbm>>) target(%arg7 : memref<128xi32, #tpu.memory_space<vmem>>) target_semaphore(%run_scoped3A : memref<!tpu.dma_semaphore, #tpu.memory_space<semaphore_mem>>)
        %dma_wait3A_70 = tpu.memref_slice %arg3[%mul3A_62] : memref<320000xi32, #tpu.memory_space<hbm>> -> memref<128xi32, #tpu.memory_space<hbm>>
        %dma_wait3A_71 = tpu.memref_slice %arg3[%mul3A_62] : memref<320000xi32, #tpu.memory_space<hbm>> -> memref<128xi32, #tpu.memory_space<hbm>>
        tpu.wait_dma2 semaphore(%run_scoped3A : memref<!tpu.dma_semaphore, #tpu.memory_space<semaphore_mem>>) src(%dma_wait3A_71 : memref<128xi32, #tpu.memory_space<hbm>>) dst(%arg7 : memref<128xi32, #tpu.memory_space<vmem>>)
        tpu.yield
      }) : () -> ()
      "tpu.region"() ({
        %run_scoped3A = tpu.sem_alloc : memref<!tpu.dma_semaphore, #tpu.memory_space<semaphore_mem>>
        %dma_start3A_68 = tpu.memref_slice %arg4[%mul3A_62] : memref<320000xi32, #tpu.memory_space<hbm>> -> memref<128xi32, #tpu.memory_space<hbm>>
        %dma_start3A_69 = tpu.memref_slice %arg4[%mul3A_62] : memref<320000xi32, #tpu.memory_space<hbm>> -> memref<128xi32, #tpu.memory_space<hbm>>
        tpu.enqueue_dma source(%dma_start3A_69 : memref<128xi32, #tpu.memory_space<hbm>>) target(%arg8 : memref<128xi32, #tpu.memory_space<vmem>>) target_semaphore(%run_scoped3A : memref<!tpu.dma_semaphore, #tpu.memory_space<semaphore_mem>>)
        %dma_wait3A_70 = tpu.memref_slice %arg4[%mul3A_62] : memref<320000xi32, #tpu.memory_space<hbm>> -> memref<128xi32, #tpu.memory_space<hbm>>
        %dma_wait3A_71 = tpu.memref_slice %arg4[%mul3A_62] : memref<320000xi32, #tpu.memory_space<hbm>> -> memref<128xi32, #tpu.memory_space<hbm>>
        tpu.wait_dma2 semaphore(%run_scoped3A : memref<!tpu.dma_semaphore, #tpu.memory_space<semaphore_mem>>) src(%dma_wait3A_71 : memref<128xi32, #tpu.memory_space<hbm>>) dst(%arg8 : memref<128xi32, #tpu.memory_space<vmem>>)
        tpu.yield
      }) : () -> ()
      %dma_start3A_63 = arith.constant 0 : i32
      %dma_start3A_64 = arith.constant 0 : i32
      %dma_start3A_65 = tpu.memref_slice %arg2[%dma_start3A_63, %dma_start3A_64] : memref<10000x128xf32, #tpu.memory_space<hbm>> -> memref<10000x128xf32, #tpu.memory_space<hbm>>
      tpu.enqueue_indirect_dma source(%dma_start3A_65 : memref<10000x128xf32, #tpu.memory_space<hbm>>) target(%arg19 : memref<128x128xf32, #tpu.memory_space<vmem>>) offsets(%arg7 : memref<128xi32, #tpu.memory_space<vmem>>) semaphore(%arg22 : memref<!tpu.dma_semaphore, #tpu.memory_space<semaphore_mem>>)
      %dma_wait3A = arith.constant 0 : i32
      %dma_wait3A_66 = arith.constant 0 : i32
      %dma_wait3A_67 = tpu.memref_slice %arg2[%dma_wait3A, %dma_wait3A_66] : memref<10000x128xf32, #tpu.memory_space<hbm>> -> memref<10000x128xf32, #tpu.memory_space<hbm>>
      tpu.wait_indirect_dma semaphore(%arg22 : memref<!tpu.dma_semaphore, #tpu.memory_space<semaphore_mem>>) src(%dma_wait3A_67 : memref<10000x128xf32, #tpu.memory_space<hbm>>) dst(%arg19 : memref<128x128xf32, #tpu.memory_space<vmem>>)
      "tpu.region"() ({
        %run_scoped3A = tpu.sem_alloc : memref<!tpu.dma_semaphore, #tpu.memory_space<semaphore_mem>>
        %dma_start3A_68 = arith.constant 0 : i32
        %dma_start3A_69 = arith.constant 0 : i32
        %dma_start3A_70 = tpu.memref_slice %arg6[%dma_start3A_68, %dma_start3A_69] : memref<10000x128xf32, #tpu.memory_space<vmem_shared>> -> memref<10000x128xf32, #tpu.memory_space<vmem_shared>>
        tpu.enqueue_indirect_dma source(%arg19 : memref<128x128xf32, #tpu.memory_space<vmem>>) target(%dma_start3A_70 : memref<10000x128xf32, #tpu.memory_space<vmem_shared>>) offsets(%arg8 : memref<128xi32, #tpu.memory_space<vmem>>) semaphore(%run_scoped3A : memref<!tpu.dma_semaphore, #tpu.memory_space<semaphore_mem>>) {add = true}
        %dma_wait3A_71 = arith.constant 0 : i32
        %dma_wait3A_72 = arith.constant 0 : i32
        %dma_wait3A_73 = tpu.memref_slice %arg6[%dma_wait3A_71, %dma_wait3A_72] : memref<10000x128xf32, #tpu.memory_space<vmem_shared>> -> memref<10000x128xf32, #tpu.memory_space<vmem_shared>>
        tpu.wait_indirect_dma semaphore(%run_scoped3A : memref<!tpu.dma_semaphore, #tpu.memory_space<semaphore_mem>>) src(%arg19 : memref<128x128xf32, #tpu.memory_space<vmem>>) dst(%dma_wait3A_73 : memref<10000x128xf32, #tpu.memory_space<vmem_shared>>)
        tpu.yield
      }) : () -> ()
    } else {
    }
    %barrier3A_47 = arith.constant 0 : index
    tpu.barrier barrier_id(%barrier3A_47)
    %lt3A_48 = arith.constant 15 : i32
    %lt3A_49 = arith.cmpi slt, %arg1, %lt3A_48 : i32
    %convert_element_type3A_50 = arith.extui %lt3A_49 : i1 to i32
    %cond3A_51 = arith.constant 0 : i32
    %cond3A_52 = arith.cmpi ne, %convert_element_type3A_50, %cond3A_51 : i32
    scf.if %cond3A_52 {
      "tpu.region"() ({
        %run_scoped3A = tpu.sem_alloc : memref<!tpu.dma_semaphore, #tpu.memory_space<semaphore_mem>>
        %dma_start3A_58 = arith.constant 0 : i32
        %dma_start3A_59 = tpu.memref_slice %arg5[%arg0, %multiple_of3A, %dma_start3A_58] : memref<2x10000x128xf32, #tpu.memory_space<hbm>> -> memref<1x632x128xf32, #tpu.memory_space<hbm>>
        %dma_start3A_60 = tpu.memref_squeeze %dma_start3A_59 : memref<1x632x128xf32, #tpu.memory_space<hbm>> -> memref<632x128xf32, #tpu.memory_space<hbm>>
        %dma_start3A_61 = arith.constant 0 : i32
        %dma_start3A_62 = tpu.memref_slice %arg6[%multiple_of3A, %dma_start3A_61] : memref<10000x128xf32, #tpu.memory_space<vmem_shared>> -> memref<632x128xf32, #tpu.memory_space<vmem_shared>>
        tpu.enqueue_dma source(%dma_start3A_62 : memref<632x128xf32, #tpu.memory_space<vmem_shared>>) target(%dma_start3A_60 : memref<632x128xf32, #tpu.memory_space<hbm>>) target_semaphore(%run_scoped3A : memref<!tpu.dma_semaphore, #tpu.memory_space<semaphore_mem>>)
        %dma_wait3A = arith.constant 0 : i32
        %dma_wait3A_63 = tpu.memref_slice %arg5[%arg0, %multiple_of3A, %dma_wait3A] : memref<2x10000x128xf32, #tpu.memory_space<hbm>> -> memref<1x632x128xf32, #tpu.memory_space<hbm>>
        %dma_wait3A_64 = tpu.memref_squeeze %dma_wait3A_63 : memref<1x632x128xf32, #tpu.memory_space<hbm>> -> memref<632x128xf32, #tpu.memory_space<hbm>>
        %dma_wait3A_65 = arith.constant 0 : i32
        %dma_wait3A_66 = tpu.memref_slice %arg6[%multiple_of3A, %dma_wait3A_65] : memref<10000x128xf32, #tpu.memory_space<vmem_shared>> -> memref<632x128xf32, #tpu.memory_space<vmem_shared>>
        tpu.wait_dma2 semaphore(%run_scoped3A : memref<!tpu.dma_semaphore, #tpu.memory_space<semaphore_mem>>) src(%dma_wait3A_66 : memref<632x128xf32, #tpu.memory_space<vmem_shared>>) dst(%dma_wait3A_64 : memref<632x128xf32, #tpu.memory_space<hbm>>)
        tpu.yield
      }) : () -> ()
    } else {
    }
    %eq3A_53 = arith.constant 15 : i32
    %eq3A_54 = arith.cmpi eq, %arg1, %eq3A_53 : i32
    %convert_element_type3A_55 = arith.extui %eq3A_54 : i1 to i32
    %cond3A_56 = arith.constant 0 : i32
    %cond3A_57 = arith.cmpi ne, %convert_element_type3A_55, %cond3A_56 : i32
    scf.if %cond3A_57 {
      "tpu.region"() ({
        %run_scoped3A = tpu.sem_alloc : memref<!tpu.dma_semaphore, #tpu.memory_space<semaphore_mem>>
        %dma_start3A_58 = arith.constant 0 : i32
        %dma_start3A_59 = tpu.memref_slice %arg5[%arg0, %multiple_of3A, %dma_start3A_58] : memref<2x10000x128xf32, #tpu.memory_space<hbm>> -> memref<1x520x128xf32, #tpu.memory_space<hbm>>
        %dma_start3A_60 = tpu.memref_squeeze %dma_start3A_59 : memref<1x520x128xf32, #tpu.memory_space<hbm>> -> memref<520x128xf32, #tpu.memory_space<hbm>>
        %dma_start3A_61 = arith.constant 0 : i32
        %dma_start3A_62 = tpu.memref_slice %arg6[%multiple_of3A, %dma_start3A_61] : memref<10000x128xf32, #tpu.memory_space<vmem_shared>> -> memref<520x128xf32, #tpu.memory_space<vmem_shared>>
        tpu.enqueue_dma source(%dma_start3A_62 : memref<520x128xf32, #tpu.memory_space<vmem_shared>>) target(%dma_start3A_60 : memref<520x128xf32, #tpu.memory_space<hbm>>) target_semaphore(%run_scoped3A : memref<!tpu.dma_semaphore, #tpu.memory_space<semaphore_mem>>)
        %dma_wait3A = arith.constant 0 : i32
        %dma_wait3A_63 = tpu.memref_slice %arg5[%arg0, %multiple_of3A, %dma_wait3A] : memref<2x10000x128xf32, #tpu.memory_space<hbm>> -> memref<1x520x128xf32, #tpu.memory_space<hbm>>
        %dma_wait3A_64 = tpu.memref_squeeze %dma_wait3A_63 : memref<1x520x128xf32, #tpu.memory_space<hbm>> -> memref<520x128xf32, #tpu.memory_space<hbm>>
        %dma_wait3A_65 = arith.constant 0 : i32
        %dma_wait3A_66 = tpu.memref_slice %arg6[%multiple_of3A, %dma_wait3A_65] : memref<10000x128xf32, #tpu.memory_space<vmem_shared>> -> memref<520x128xf32, #tpu.memory_space<vmem_shared>>
        tpu.wait_dma2 semaphore(%run_scoped3A : memref<!tpu.dma_semaphore, #tpu.memory_space<semaphore_mem>>) src(%dma_wait3A_66 : memref<520x128xf32, #tpu.memory_space<vmem_shared>>) dst(%dma_wait3A_64 : memref<520x128xf32, #tpu.memory_space<hbm>>)
        tpu.yield
      }) : () -> ()
    } else {
    }
    return
  }
}

module attributes {stable_mosaic.version = 14 : i64} {
  func.func @body(%arg0: i32, %arg1: memref<1000x128xf32, #tpu.memory_space<vmem>>, %arg2: memref<1000x128xf32, #tpu.memory_space<vmem>>, %arg3: memref<1000x128xf32, #tpu.memory_space<vmem>>, %arg4: memref<128x128xf32, #tpu.memory_space<vmem>>, %arg5: memref<128x128xf32, #tpu.memory_space<vmem>>, %arg6: memref<1x128xf32, #tpu.memory_space<vmem>>, %arg7: memref<1000x128xf32, #tpu.memory_space<vmem>>) attributes {dimension_semantics = [#tpu.dimension_semantics<arbitrary>], iteration_bounds = array<i64: 10>, scalar_prefetch = 0 : i64, scratch_operands = 0 : i64, tpu.core_type = #tpu.core_type<tc>, window_params = [{transform_indices = @transform_0, window_bounds = array<i64: 1000, 128>}, {transform_indices = @transform_1, window_bounds = array<i64: 1000, 128>}, {transform_indices = @transform_2, window_bounds = array<i64: 1000, 128>}, {pipeline_mode = #tpu.pipeline_mode<synchronous>, transform_indices = @transform_3, window_bounds = array<i64: 128, 128>}, {pipeline_mode = #tpu.pipeline_mode<synchronous>, transform_indices = @transform_4, window_bounds = array<i64: 128, 128>}, {pipeline_mode = #tpu.pipeline_mode<synchronous>, transform_indices = @transform_5, window_bounds = array<i64: 1, 128>}, {transform_indices = @transform_6, window_bounds = array<i64: 1000, 128>}]} {
    %get3A = arith.constant 0 : index
    %get3A_0 = arith.constant 0 : index
    %get3A_1 = vector.load %arg1[%get3A, %get3A_0] : memref<1000x128xf32, #tpu.memory_space<vmem>>, vector<1000x128xf32>
    %get3A_2 = arith.constant 0 : index
    %get3A_3 = arith.constant 0 : index
    %get3A_4 = vector.load %arg4[%get3A_2, %get3A_3] : memref<128x128xf32, #tpu.memory_space<vmem>>, vector<128x128xf32>
    %dot_general3A = arith.constant dense<0.000000e+00> : vector<1000x128xf32>
    %dot_general3A_5 = tpu.matmul %get3A_1, %get3A_4, %dot_general3A {dimension_numbers = #tpu.dot_dimension_numbers<[1], [0], [0], [1], [0, 0, 1, 1], [], []>, transpose_lhs_hint = false} : vector<1000x128xf32>, vector<128x128xf32>, vector<1000x128xf32> -> vector<1000x128xf32>
    %get3A_6 = arith.constant 0 : index
    %get3A_7 = arith.constant 0 : index
    %get3A_8 = vector.load %arg2[%get3A_6, %get3A_7] : memref<1000x128xf32, #tpu.memory_space<vmem>>, vector<1000x128xf32>
    %get3A_9 = arith.constant 0 : index
    %get3A_10 = arith.constant 0 : index
    %get3A_11 = vector.load %arg3[%get3A_9, %get3A_10] : memref<1000x128xf32, #tpu.memory_space<vmem>>, vector<1000x128xf32>
    %add3A = arith.addf %get3A_8, %get3A_11 : vector<1000x128xf32>
    %get3A_12 = arith.constant 0 : index
    %get3A_13 = arith.constant 0 : index
    %get3A_14 = vector.load %arg5[%get3A_12, %get3A_13] : memref<128x128xf32, #tpu.memory_space<vmem>>, vector<128x128xf32>
    %dot_general3A_15 = arith.constant dense<0.000000e+00> : vector<1000x128xf32>
    %dot_general3A_16 = tpu.matmul %add3A, %get3A_14, %dot_general3A_15 {dimension_numbers = #tpu.dot_dimension_numbers<[1], [0], [0], [1], [0, 0, 1, 1], [], []>, transpose_lhs_hint = false} : vector<1000x128xf32>, vector<128x128xf32>, vector<1000x128xf32> -> vector<1000x128xf32>
    %add3A_17 = arith.addf %dot_general3A_5, %dot_general3A_16 : vector<1000x128xf32>
    %get3A_18 = arith.constant 0 : index
    %get3A_19 = arith.constant 0 : index
    %get3A_20 = vector.load %arg6[%get3A_18, %get3A_19] : memref<1x128xf32, #tpu.memory_space<vmem>>, vector<1x128xf32>
    %add3A_21 = vector.broadcast %get3A_20 : vector<1x128xf32> to vector<1000x128xf32>
    %add3A_22 = arith.addf %add3A_17, %add3A_21 : vector<1000x128xf32>
    %max3A = arith.constant 0.000000e+00 : f32
    %max3A_23 = vector.broadcast %max3A : f32 to vector<1000x128xf32>
    %max3A_24 = arith.maximumf %add3A_22, %max3A_23 : vector<1000x128xf32>
    %swap3A = arith.constant 0 : index
    %swap3A_25 = arith.constant 0 : index
    %swap3A_26 = vector.load %arg7[%swap3A, %swap3A_25] : memref<1000x128xf32, #tpu.memory_space<vmem>>, vector<1000x128xf32>
    tpu.vector_store %arg7[%swap3A, %swap3A_25], %max3A_24 {strides = array<i32>} : memref<1000x128xf32, #tpu.memory_space<vmem>>, vector<1000x128xf32>,
    return
  }
  func.func @transform_0(%arg0: i32) -> (i32, i32) {
    %c0_i32 = arith.constant 0 : i32
    %c0_i32_0 = arith.constant 0 : i32
    return %arg0, %c0_i32 : i32, i32
  }
  func.func @transform_1(%arg0: i32) -> (i32, i32) {
    %c0_i32 = arith.constant 0 : i32
    %c0_i32_0 = arith.constant 0 : i32
    return %arg0, %c0_i32 : i32, i32
  }
  func.func @transform_2(%arg0: i32) -> (i32, i32) {
    %c0_i32 = arith.constant 0 : i32
    %c0_i32_0 = arith.constant 0 : i32
    return %arg0, %c0_i32 : i32, i32
  }
  func.func @transform_3(%arg0: i32) -> (i32, i32) {
    %c0_i32 = arith.constant 0 : i32
    %c0_i32_0 = arith.constant 0 : i32
    %c0_i32_1 = arith.constant 0 : i32
    return %c0_i32, %c0_i32_0 : i32, i32
  }
  func.func @transform_4(%arg0: i32) -> (i32, i32) {
    %c0_i32 = arith.constant 0 : i32
    %c0_i32_0 = arith.constant 0 : i32
    %c0_i32_1 = arith.constant 0 : i32
    return %c0_i32, %c0_i32_0 : i32, i32
  }
  func.func @transform_5(%arg0: i32) -> (i32, i32) {
    %c0_i32 = arith.constant 0 : i32
    %c0_i32_0 = arith.constant 0 : i32
    %c0_i32_1 = arith.constant 0 : i32
    return %c0_i32, %c0_i32_0 : i32, i32
  }
  func.func @transform_6(%arg0: i32) -> (i32, i32) {
    %c0_i32 = arith.constant 0 : i32
    %c0_i32_0 = arith.constant 0 : i32
    return %arg0, %c0_i32 : i32, i32
  }
}

</mosaic_0001>

<sc_bundles>
// kernel: kernel.4.cloned.1.call-start
scs
__scs_entry_jumppad:
0x0: {  	(pc) =	sbr.rel $0x88, $3  }
0x1: {  	(tag) =	ssettag $0x0;
	lr =	simm.s32 $0x1  }
0x2: {  	[smem:$0x3F99] =	sst lr;
	_ =	strace $0xD0000000  }
0x3: {  	_ = 	snop  }
0x4: {  	_ = 	snop  }
0x5: {  	_ = 	snop  }
0x6: {  	_ = 	snop  }
0x7: {  	_ = 	snop  }
__scs_overlays_trampoline_lowered:
0x8: {  	[smem:$0x3FA8] =	sst s0  }
0x9: {  	[smem:$0x3FA9] =	sst s1  }
0xa: {  	[smem:$0x3FAA] =	sst s2  }
0xb: {  	[smem:$0x3FAB] =	sst s3  }
0xc: {  	[smem:$0x3FAC] =	sst s4  }
0xd: {  	[smem:$0x3FAD] =	sst s5  }
0xe: {  	[smem:$0x3FAE] =	sst s6  }
0xf: {  	[smem:$0x3FAF] =	sst s7  }
0x10: {  	[smem:$0x3FB0] =	sst s8  }
0x11: {  	[smem:$0x3FB1] =	sst s9;
	s0 =	simm.s32 @!p0 $0x0  }
0x12: {  	s1 =	sld [smem:$0x3F97];
	s0 =	simm.s32 @p0 $0x1  }
0x13: {  	[smem:$0x3FB2] =	sst s0;
	s0 =	simm.s32 @!p1 $0x0  }
0x14: {  	s2 =	sld [smem:$0x3F96];
	s0 =	simm.s32 @p1 $0x1  }
0x15: {  	[smem:$0x3FB3] =	sst s0;
	s0 =	simm.s32 @!p2 $0x0  }
0x16: {  	s3 =	sld [smem:$0x3FDB];
	s0 =	simm.s32 @p2 $0x1  }
0x17: {  	s4 =	simm.s32 $0x1BF5;
	[smem:$0x3FB5] =	sst s0  }
0x18: {  	s0 =	sld [smem:$0x3F98];
	_ =	swait.ge [sflag:s4], $0x0  }
0x19: {  	s7 =	sld [smem:$0x3F99]  }
0x1a: {  	s8 =	sadd.s32 $0xFFFFE003, lr  }
0x1b: {  	s9 =	sadd.s32 $0xFFFFFEF7, lr;
	s5 =	simm.s32 $0xFFFFFFFF;
	p2 =	slt.u32 s8, $0xFFFFF086  }
0x1c: {  	p1 =	slt.u32 s9, $0xF7A;
	s5 =	simm.s32 @!p2 $0x0  }
0x1d: {  	s5 =	simm.s32 @p1 $0x1;
	p0 =	seq.s32 s7, s2  }
0x1e: {  	s7 =	smul.u32 @!p0 $0xF7A, s2;
	p2 =	seq.s32 @!p0 s5, $0x0  }
0x1f: {  	s9 =	smul.u32 $0xF7A, s1;
	s8 =	simm.s32 @!p0 $0x1BF5;
	p2 =	por !p2, p0  }
0x20: {  	[sflag:s8] =	ssyncset.s32 @!p0 $0xFFFFF086;
	s6 =	sadd.s32 @!p0 s3, s7;
	s7 =	simm.s32 @!p0 $0x108  }
0x21: {  	s3 =	sadd.s32 s3, s9;
	s6 =	sadd.s32 @!p0 $0x88, s6;
	s7 =	simm.s32 @p2 $0x1082  }
0x22: {  	[simem:s7], [sflag:s8] =	dma.local @!p0 [hbm:s6], $0xF7A  }
0x23: {  	s9 =	sor.u32 $0xD0000000, s2;
	s6 =	simm.s32 $0x108;
	_ =	swait.ge @!p0 [sflag:s8], $0x0  }
0x24: {  	s3 =	sadd.s32 $0x88, s3;
	s6 =	simm.s32 @!p1 $0x1082;
	[sflag:s4] =	ssyncset.s32 $0xFFFFF086  }
0x25: {  	[simem:s6], [sflag:s4] =	dma.local [hbm:s3], $0xF7A  }
0x26: {  	[smem:$0x3F99] =	sst s1;
	(tag) =	ssettag s2;
	_ =	strace s9  }
0x27: {  	s1 =	sld [smem:$0x3FA9]  }
0x28: {  	s2 =	sld [smem:$0x3FAA]  }
0x29: {  	s4 =	sld [smem:$0x3FAC]  }
0x2a: {  	p0 =	seq.s32 s5, $0x0;
	s5 =	sld [smem:$0x3FAD]  }
0x2b: {  	s6 =	sld [smem:$0x3FAE]  }
0x2c: {  	s7 =	sld [smem:$0x3FAF]  }
0x2d: {  	s3 =	simm.s32 $0x108;
	s8 =	sld [smem:$0x3FB0]  }
0x2e: {  	s3 =	simm.s32 @!p0 $0x1082;
	s9 =	sld [smem:$0x3FB1]  }
0x2f: {  	lr =	sadd.s32 s0, s3;
	s0 =	sld [smem:$0x3FA8]  }
0x30: {  	s3 =	sld [smem:$0x3FAB]  }
0x31: {  	[smem:$0x3FB4] =	sst s10  }
0x32: {  	s10 =	sld [smem:$0x3FB2];
	_ =	sdelay $0x3  }
0x33: {  	p0 =	seq.s32 s10, $0x1;
	s10 =	sld [smem:$0x3FB4];
	_ =	sdelay $0x3  }
0x34: {  	[smem:$0x3FB4] =	sst s10  }
0x35: {  	s10 =	sld [smem:$0x3FB3];
	_ =	sdelay $0x3  }
0x36: {  	p1 =	seq.s32 s10, $0x1;
	s10 =	sld [smem:$0x3FB4];
	_ =	sdelay $0x3  }
0x37: {  	[smem:$0x3FB4] =	sst s10  }
0x38: {  	s10 =	sld [smem:$0x3FB5]  }
0x39: {  	_ = 	snop;
	(pc) =	sbr.ind lr, $3  }
0x3a: {  	_ = 	snop  }
0x3b: {  	_ = 	snop  }
0x3c: {  	p2 =	seq.s32 s10, $0x1;
	s10 =	sld [smem:$0x3FB4]  }
0x3d: {  	_ =	shalt  }
0x3e: {  	_ =	shalt  }
0x3f: {  	_ =	shalt  }
0x40: {  	_ =	shalt  }
0x41: {  	_ =	shalt  }
0x42: {  	_ =	shalt  }
0x43: {  	_ =	shalt  }
0x44: {  	_ =	shalt  }
0x45: {  	_ =	shalt  }
0x46: {  	_ =	shalt  }
0x47: {  	_ =	shalt  }
0x48: {  	_ =	shalt  }
0x49: {  	_ =	shalt  }
0x4a: {  	_ =	shalt  }
0x4b: {  	_ =	shalt  }
0x4c: {  	_ =	shalt  }
0x4d: {  	_ =	shalt  }
0x4e: {  	_ =	shalt  }
0x4f: {  	_ =	shalt  }
0x50: {  	_ =	shalt  }
0x51: {  	_ =	shalt  }
0x52: {  	_ =	shalt  }
0x53: {  	_ =	shalt  }
0x54: {  	_ =	shalt  }
0x55: {  	_ =	shalt  }
0x56: {  	_ =	shalt  }
0x57: {  	_ =	shalt  }
0x58: {  	_ =	shalt  }
0x59: {  	_ =	shalt  }
0x5a: {  	_ =	shalt  }
0x5b: {  	_ =	shalt  }
0x5c: {  	_ =	shalt  }
0x5d: {  	_ =	shalt  }
0x5e: {  	_ =	shalt  }
0x5f: {  	_ =	shalt  }
0x60: {  	_ =	shalt  }
0x61: {  	_ =	shalt  }
0x62: {  	_ =	shalt  }
0x63: {  	_ =	shalt  }
0x64: {  	_ =	shalt  }
0x65: {  	_ =	shalt  }
0x66: {  	_ =	shalt  }
0x67: {  	_ =	shalt  }
0x68: {  	_ =	shalt  }
0x69: {  	_ =	shalt  }
0x6a: {  	_ =	shalt  }
0x6b: {  	_ =	shalt  }
0x6c: {  	_ =	shalt  }
0x6d: {  	_ =	shalt  }
0x6e: {  	_ =	shalt  }
0x6f: {  	_ =	shalt  }
0x70: {  	_ =	shalt  }
0x71: {  	_ =	shalt  }
0x72: {  	_ =	shalt  }
0x73: {  	_ =	shalt  }
0x74: {  	_ =	shalt  }
0x75: {  	_ =	shalt  }
0x76: {  	_ =	shalt  }
0x77: {  	_ =	shalt  }
0x78: {  	_ =	shalt  }
0x79: {  	_ =	shalt  }
0x7a: {  	_ =	shalt  }
0x7b: {  	_ =	shalt  }
0x7c: {  	_ =	shalt  }
0x7d: {  	_ =	shalt  }
0x7e: {  	_ =	shalt  }
0x7f: {  	_ =	shalt  }
0x80: {  	_ =	shalt  }
0x81: {  	_ =	shalt  }
0x82: {  	_ =	shalt  }
0x83: {  	_ =	shalt  }
0x84: {  	_ =	shalt  }
0x85: {  	_ =	shalt  }
0x86: {  	_ =	shalt  }
0x87: {  	_ =	shalt  }
.Lfunc_end0:
.L_simem_size_0:
called_computation_lowered:
.L_overlay_start_0:
0x88: {  	s2 =	sld [smem:$0x3FD9]  }
0x89: {  	s3 =	sld [smem:$0x3FFE];
	_ =	sdelay $0x1  }
0x8a: {  	s1 =	srdreg.scid  }
0x8b: {  	s0 =	sand.u32 $0x1, s1  }
0x8c: {  	s17 =	sshll.u32 s0, $0xA;
	s2 =	sadd.s32 s3, s2  }
0x8d: {  	s2 =	sadd.s32 s2, s17  }
0x8e: {  	[smem:$0x3FC0] =	sst s2  }
0x8f: {  	_ = 	snop  }
0x90: {  	s2 =	sld [smem:$0x3FC9]  }
0x91: {  	s18 =	sld [smem:$0x3FC8]  }
0x92: {  	s4 =	sld [smem:$0x3FC7];
	(tm) =	ssettm $0x1  }
0x93: {  	s5 =	sld [smem:$0x3FFB];
	_ =	sdelay $0x3  }
0x94: {  	_ =	strace s5  }
0x95: {  	s5 =	sld [smem:$0x3FFC];
	_ =	sdelay $0x3  }
0x96: {  	_ =	strace s5  }
0x97: {  	s5 =	sld [smem:$0x3FFD];
	_ =	sdelay $0x3  }
0x98: {  	_ =	strace s5  }
0x99: {  	_ =	strace $0x8FFFFFFF  }
0x9a: {  	s19 =	sld [smem:$0x3FDB];
	_ =	sdelay $0x1  }
0x9b: {  	s6 =	simm.s32 $_scs_section_size  }
0x9c: {  	s7 =	simm.s32 $_size__tile_overlayer_lowered;
	s8 =	simm.s32 $_tile_overlayer_lowered  }
0x9d: {  	s22 =	simm.s32 $0x1BFF;
	s21 =	sshll.u32 s8, $0x1;
	s5 =	sadd.s32 s6, s19  }
0x9e: {  	s9 =	simm.s32 $0x0;
	s20 =	sshll.u32 s7, $0x1;
	s7 =	sadd.s32 s21, s5  }
0x9f: {  	[timem:s9], [sflag:s22] =	dma.local [hbm:s7], s20  }
0xa0: {  	_ =	swait.ge [sflag:s22], s20  }
0xa1: {  	s6 =	ssub.s32 $0x0, s20;
	[sflag:s22] =	ssyncset.done $0x0  }
0xa2: {  	[sflag:s22] =	ssyncadd.s32 s6;
	_ =	sdelay $0x1  }
0xa3: {  	s23 =	simm.s32 $0x1B8B  }
0xa4: {  	_ =	swait.ge [sflag:s23], $0x1  }
0xa5: {  	[sflag:s23] =	ssyncset.done $0x0  }
0xa6: {  	s25 =	simm.s32 $0x1B8E;
	s24 =	sld [smem:$0x3FFE];
	[sflag:s23] =	ssyncadd.s32 $0xFFFFFFFF  }
0xa7: {  	s26 =	simm.s32 $execute0_lowered;
	[smem:$0x3FD2] =	sst s25  }
0xa8: {  	s7 =	sshll.u32 s26, $0x1;
	_ =	strace $0x80000046;
	[dreg:$0x1] =	wrdreg $0xFFFFFFFF  }
0xa9: {  	s28 =	simm.s32 $_size_execute0_lowered;
	s5 =	sadd.s32 s5, s7;
	[dreg:$0x0] =	wrdreg $0x0  }
0xaa: {  	s7 =	sshll.u32 s28, $0x1;
	[dreg:$0x2] =	wrdreg s5  }
0xab: {  	[dreg:$0x3] =	wrdreg s7  }
0xac: {  	[dreg:$0x4] =	wrdreg $0xC0  }
0xad: {  	_ =	task [dreg:s9], $0x5FFFF  }
0xae: {  	[dreg:$0x1] =	wrdreg $0xFFFFFFFF  }
0xaf: {  	[dreg:$0x0] =	wrdreg $0x60  }
0xb0: {  	[dreg:$0x2] =	wrdreg s2  }
0xb1: {  	[dreg:$0x3] =	wrdreg s18  }
0xb2: {  	[dreg:$0x4] =	wrdreg s4  }
0xb3: {  	[dreg:$0x5] =	wrdreg s24  }
0xb4: {  	[dreg:$0x6] =	wrdreg $0x0  }
0xb5: {  	[dreg:$0x7] =	wrdreg $0x9  }
0xb6: {  	_ =	task.clear_ibuf [dreg:s9], $0x8FFFF;
	_ =	strace $0x90000046  }
0xb7: {  	s29 =	simm.s32 $0x9;
	_ =	strace $0x80000048  }
0xb8: {  	_ =	swait.ge [sflag:s29], $0x1  }
0xb9: {  	[sflag:s29] =	ssyncadd.s32 $0xFFFFFFFF  }
0xba: {  	_ =	strace $0x90000048  }
0xbb: {  	_ =	sfence  }
0xbc: {  	s30 =	sld [smem:$0x0];
	_ =	sdelay $0x2  }
0xbd: {  	s31 =	sshll.u32 s1, $0xD;
	s1 =	sshrl.u32 s1, $0x2  }
0xbe: {  	s3 =	sand.u32 $0x4000, s31;
	s1 =	sadd.s32 s1, s30  }
0xbf: {  	s0 =	sor.u32 s3, s0;
	s1 =	sshll.u32 s1, $0x11  }
0xc0: {  	s0 =	sor.u32 s1, s0  }
0xc1: {  	s0 =	sadd.s32 $0x8F2B, s0  }
0xc2: {  	[sflag:s0] =	ssyncadd.remote.s32 $0x1  }
0xc3: {  	_ =	sfence.sel $0xFFFF  }
0xc4: {  	[dreg:$0x0] =	wrdreg $0xFFFFFFFF;
	(pc) =	sbr.abs _section_cstart, $3  }
0xc5: {  	[dreg:$0x1] =	wrdreg $0xFFFFFFFF  }
0xc6: {  	_ =	task.clear_ibuf [dreg:s9], $0x2FFFF;
	_ =	strace $0x9FFFFFFF  }
0xc7: {  	(tm) =	ssettm $0x7FFFFFFF  }
tec
execute0_lowered:
.L_overlay_start_1:
0x0: {  	(tag) =	ssettag $0x1  }
0x1: {  	s1 =	rddreg [dreg:$0x0]  }
0x2: {  	s31 =	rddreg [dreg:$0x1]  }
0x3: {  	s2 =	rddreg [dreg:$0x2]  }
0x4: {  	s0 =	rddreg [dreg:$0x3]  }
0x5: {  	s5 =	rddreg [dreg:$0x4];
	s4 =	srdreg.scid;
	s6 =	simm.s32 $0x0  }
0x6: {  	s3 =	stileid.u32;
	s30 =	simm.s32 $0x13C00;
	s28 =	simm.s32 $0x5  }
0x7: {  	s7 =	sand.u32 $0x1, s4;
	[smem:$0x7FF] =	sst s6;
	s8 =	smul.u32 $0x4F000, s3  }
0x8: {  	s9 =	sadd.s32 $0x1A00, s0;
	s14 =	smul.u32 $0x2700, s3;
	s29 =	sadd.s32 $0x128400, s5  }
0x9: {  	s17 =	sadd.s32 $0x12C400, s5;
	p1 =	seq.s32 s3, $0xF;
	s4 =	sshll.u32 s7, $0x4  }
0xa: {  	_ =	strace $0x80000047;
	s26 =	smul.u32 $0x27000, s7;
	[dreg:$0x16] =	wrdreg s17  }
0xb: {  	s25 =	ssub.s32 $0x2, s7;
	s7 =	smul.u32 $0x138800, s7;
	[dreg:$0x15] =	wrdreg s29  }
0xc: {  	s0 =	sor.u32 s3, s4;
	s8 =	sshrl.u32 s8, $0x2;
	s11 =	sshrl.u32 s25, $0x1  }
0xd: {  	s10 =	smul.u32 $0x2700, s0;
	s24 =	sadd.s32 s8, s5;
	s4 =	ssub.s32 s25, s11  }
0xe: {  	s8 =	sadd.s32 s14, s26;
	s13 =	sadd.s32 $0x4000, s24;
	[dreg:$0x10] =	wrdreg s24  }
0xf: {  	p0 =	slt.u32 s0, $0x1C;
	s12 =	sadd.s32 $0x8000, s24;
	[dreg:$0x11] =	wrdreg s13  }
0x10: {  	s15 =	sadd.s32 $0xC000, s24;
	s16 =	sadd.s32 $0x10000, s24;
	[dreg:$0x12] =	wrdreg s12  }
0x11: {  	s19 =	sadd.s32 $0x400, s8;
	s14 =	sadd.s32 $0x380, s8;
	[dreg:$0x13] =	wrdreg s15  }
0x12: {  	s23 =	sadd.s32 $0x280, s8;
	[dreg:$0x14] =	wrdreg s16;
	s10 =	sshrl.u32 s10, $0x3  }
0x13: {  	s11 =	sshrl.u32 s19, $0x3;
	s12 =	smul.u32 $0x13C00, s3;
	s18 =	sadd.s32 s31, s10  }
0x14: {  	s21 =	sshrl.u32 s14, $0x3;
	s20 =	sadd.s32 s2, s10;
	[dreg:$0x17] =	wrdreg s18  }
0x15: {  	s26 =	sshrl.u32 s23, $0x3;
	s13 =	sadd.s32 s11, s2;
	[dreg:$0x18] =	wrdreg s20  }
0x16: {  	s15 =	sadd.s32 $0x200, s8;
	s11 =	sadd.s32 s11, s31;
	[dreg:$0x6] =	wrdreg s13  }
0x17: {  	s19 =	sadd.s32 $0x180, s8;
	s22 =	sadd.s32 s21, s2;
	[dreg:$0x7] =	wrdreg s11  }
0x18: {  	s3 =	simm.s32 $0x13980;
	s25 =	sadd.s32 s21, s31;
	[dreg:$0x8] =	wrdreg s22  }
0x19: {  	s14 =	sadd.s32 s26, s2;
	s16 =	sadd.s32 s26, s31;
	[dreg:$0x9] =	wrdreg s25  }
0x1a: {  	s17 =	sshrl.u32 s15, $0x3;
	s21 =	sshrl.u32 s19, $0x3;
	[dreg:$0xa] =	wrdreg s14  }
0x1b: {  	[dreg:$0xb] =	wrdreg s16;
	s18 =	sadd.s32 s17, s2;
	s20 =	sadd.s32 s17, s31  }
0x1c: {  	s22 =	sor.u32 $0x10, s10;
	s23 =	sadd.s32 s21, s2;
	s26 =	sadd.s32 s12, s7  }
0x1d: {  	s10 =	sadd.s32 $0x20, s10;
	s7 =	sshrl.u32 s7, $0x3;
	[dreg:$0xc] =	wrdreg s18  }
0x1e: {  	s15 =	sadd.s32 s21, s31;
	s16 =	sshll.u32 s0, $0x4;
	[dreg:$0xd] =	wrdreg s20  }
0x1f: {  	s21 =	sadd.s32 $0x300, s8;
	s8 =	smov.u32 s2;
	[dreg:$0xe] =	wrdreg s23  }
0x20: {  	s13 =	simm.s32 $0x13B80;
	s25 =	sadd.s32 s31, s22;
	[dreg:$0xf] =	wrdreg s15  }
0x21: {  	s14 =	sadd.s32 s2, s22;
	s11 =	sshrl.u32 s26, $0x3;
	[smem:$0x7F9] =	sst s21  }
0x22: {  	s7 =	sadd.s32 s9, s7;
	s17 =	sadd.s32 s31, s10;
	[dreg:$0x19] =	wrdreg s25  }
0x23: {  	s10 =	sadd.s32 s2, s10;
	s22 =	smax.u32 s4, $0x1;
	[dreg:$0x1a] =	wrdreg s14  }
0x24: {  	s23 =	sadd.s32 $0x130400, s5;
	s26 =	sadd.s32 $0x138400, s5;
	[dreg:$0x1c] =	wrdreg s17  }
0x25: {  	s4 =	simm.s32 $0x13A00;
	s15 =	simm.s32 $0x13C80;
	[dreg:$0x1d] =	wrdreg s10  }
0x26: {  	s21 =	simm.s32 $0x1BE80;
	s11 =	sadd.s32 s9, s11;
	[smem:$0x7FA] =	sst s22  }
0x27: {  	s9 =	sadd.s32 $0x9A40, s16;
	s20 =	sadd.s32 $0x25080, s7;
	[smem:$0x7FB] =	sst s23  }
0x28: {  	s25 =	sadd.s32 $0x134400, s5;
	[smem:$0x7FD] =	sst s26;
	s10 =	simm.s32 $0x13A80  }
0x29: {  	s16 =	simm.s32 $0x13D00;
	s17 =	simm.s32 $0x4;
	s22 =	simm.s32 $0x1  }
0x2a: {  	s23 =	simm.s32 $0x6;
	s26 =	simm.s32 $0x3;
	[dreg:$0x1b] =	wrdreg s11  }
0x2b: {  	s7 =	simm.s32 $0x0;
	s14 =	simm.s32 $0x13E00;
	[smem:$0x7F8] =	sst s20  }
0x2c: {  	s18 =	sadd.s32 s31, s9;
	s19 =	sadd.s32 s2, s9;
	[smem:$0x7FC] =	sst s25  }
0x2d: {  	s9 =	simm.s32 $0x13880;
	s2 =	simm.s32 $0x13900;
	s11 =	simm.s32 $0x13B00  }
0x2e: {  	s20 =	simm.s32 $0x17E80;
	s25 =	simm.s32 $0x2;
	[dreg:$0x1e] =	wrdreg s18  }
0x2f: {  	v0 =	vimm.f32 $0.0e+00;
	[dreg:$0x1f] =	wrdreg s19;
	s18 =	simm.s32 $0x80;
	s19 =	simm.s32 $0x13E80  }
.LBB2_1:
0x30: {  	[smem:$0x7F7] =	sst s7;
	s7 =	simm.s32 $0x0;
	s12 =	simm.s32 $0x200  }
.LBB2_2:
0x31: {  	p2 =	sne.s32 s12, $0xFE00;
	[tilespmem:s7+$0x13EF0] =	vst v0  }
0x32: {  	[tilespmem:s7+$0x13E80] =	vst v0  }
0x33: {  	[tilespmem:s7+$0x13E90] =	vst v0  }
.Ltmp0:
0x34: {  	[tilespmem:s7+$0x13EA0] =	vst v0;
	(pc) =	sbr.rel @p2 .LBB2_2-.Ltmp0, $4  }
0x35: {  	[tilespmem:s7+$0x13EB0] =	vst v0  }
0x36: {  	[tilespmem:s7+$0x13EC0] =	vst v0  }
0x37: {  	[tilespmem:s7+$0x13ED0] =	vst v0  }
0x38: {  	[tilespmem:s7+$0x13EE0] =	vst v0;
	s7 =	sshra.s32 s12, $0x2;
	s12 =	sadd.s32 $0x200, s12  }
0x39: {  	[tilespmem:s7+$0x13EF0] =	vst v0  }
0x3a: {  	[tilespmem:s7+$0x13E80] =	vst v0  }
0x3b: {  	[tilespmem:s7+$0x13E90] =	vst v0  }
0x3c: {  	[tilespmem:s7+$0x13EA0] =	vst v0  }
0x3d: {  	[tilespmem:s7+$0x13EB0] =	vst v0  }
0x3e: {  	[tilespmem:s7+$0x13EC0] =	vst v0  }
0x3f: {  	[tilespmem:s7+$0x13ED0] =	vst v0  }
0x40: {  	[tilespmem:s7+$0x13EE0] =	vst v0;
	s7 =	simm.s32 @p1 $0x13E80  }
0x41: {  	[spmem:s29] =	stream.linear.scatter @p1 [tilespmem:s7], [sflag:$0x4], $0x4000, $0x38;
	[tilespmem:$0x1FE80] =	vst v63  }
0x42: {  	s0 =	rddreg [dreg:$0x16]  }
0x43: {  	[spmem:s0] =	stream.linear.scatter @p1 [tilespmem:s7], [sflag:$0x4], $0x4000, $0x38;
	[tilespmem:$0x1FE80] =	vst v63  }
0x44: {  	s0 =	sld [smem:$0x7FB];
	_ =	sdelay $0x2  }
0x45: {  	[spmem:s0] =	stream.linear.scatter @p1 [tilespmem:s7], [sflag:$0x4], $0x4000, $0x38;
	[tilespmem:$0x1FE80] =	vst v63  }
0x46: {  	s0 =	sld [smem:$0x7FC];
	_ =	sdelay $0x2  }
0x47: {  	[spmem:s0] =	stream.linear.scatter @p1 [tilespmem:s7], [sflag:$0x4], $0x4000, $0x38;
	[tilespmem:$0x1FE80] =	vst v63  }
0x48: {  	s0 =	sld [smem:$0x7FD];
	_ =	sdelay $0x2  }
0x49: {  	[spmem:s0] =	stream.linear.scatter @p1 [tilespmem:s7], [sflag:$0x5], $0x400, $0x38;
	[tilespmem:$0x1FE80] =	vst v63  }
0x4a: {  	s7 =	simm.s32 @p1 $0x4  }
0x4b: {  	_ =	swait.ge @p1 [sflag:s7], $0x4000  }
0x4c: {  	[sflag:s7] =	ssyncset.done @p1 $0x0  }
0x4d: {  	[sflag:s7] =	ssyncadd.s32 @p1 $0xFFFFC000  }
0x4e: {  	_ =	swait.ge @p1 [sflag:s7], $0x4000  }
0x4f: {  	[sflag:s7] =	ssyncset.done @p1 $0x0  }
0x50: {  	[sflag:s7] =	ssyncadd.s32 @p1 $0xFFFFC000  }
0x51: {  	_ =	swait.ge @p1 [sflag:s7], $0x4000  }
0x52: {  	[sflag:s7] =	ssyncset.done @p1 $0x0  }
0x53: {  	[sflag:s7] =	ssyncadd.s32 @p1 $0xFFFFC000  }
0x54: {  	_ =	swait.ge @p1 [sflag:s7], $0x4000  }
0x55: {  	[sflag:s7] =	ssyncset.done @p1 $0x0  }
0x56: {  	[sflag:s7] =	ssyncadd.s32 @p1 $0xFFFFC000;
	s7 =	simm.s32 @p1 $0x5  }
0x57: {  	_ =	swait.ge @p1 [sflag:s7], $0x400  }
0x58: {  	[sflag:s7] =	ssyncset.done @p1 $0x0  }
0x59: {  	[sflag:s7] =	ssyncadd.s32 @p1 $0xFFFFFC00;
	s7 =	simm.s32 @!p1 $0x13E80  }
0x5a: {  	[spmem:s24] =	stream.linear.scatter @!p1 [tilespmem:s7], [sflag:$0x4], $0x4000, $0x38;
	[tilespmem:$0x1FE80] =	vst v63  }
0x5b: {  	s0 =	rddreg [dreg:$0x11]  }
0x5c: {  	[spmem:s0] =	stream.linear.scatter @!p1 [tilespmem:s7], [sflag:$0x4], $0x4000, $0x38;
	[tilespmem:$0x1FE80] =	vst v63  }
0x5d: {  	s0 =	rddreg [dreg:$0x12]  }
0x5e: {  	[spmem:s0] =	stream.linear.scatter @!p1 [tilespmem:s7], [sflag:$0x4], $0x4000, $0x38;
	[tilespmem:$0x1FE80] =	vst v63  }
0x5f: {  	s0 =	rddreg [dreg:$0x13]  }
0x60: {  	[spmem:s0] =	stream.linear.scatter @!p1 [tilespmem:s7], [sflag:$0x4], $0x4000, $0x38;
	[tilespmem:$0x1FE80] =	vst v63  }
0x61: {  	s0 =	rddreg [dreg:$0x14]  }
0x62: {  	[spmem:s0] =	stream.linear.scatter @!p1 [tilespmem:s7], [sflag:$0x5], $0x3C00, $0x38;
	[tilespmem:$0x1FE80] =	vst v63  }
0x63: {  	s7 =	simm.s32 @!p1 $0x4  }
0x64: {  	_ =	swait.ge @!p1 [sflag:s7], $0x4000  }
0x65: {  	[sflag:s7] =	ssyncset.done @!p1 $0x0  }
0x66: {  	[sflag:s7] =	ssyncadd.s32 @!p1 $0xFFFFC000  }
0x67: {  	_ =	swait.ge @!p1 [sflag:s7], $0x4000  }
0x68: {  	[sflag:s7] =	ssyncset.done @!p1 $0x0  }
0x69: {  	[sflag:s7] =	ssyncadd.s32 @!p1 $0xFFFFC000  }
0x6a: {  	_ =	swait.ge @!p1 [sflag:s7], $0x4000  }
0x6b: {  	[sflag:s7] =	ssyncset.done @!p1 $0x0  }
0x6c: {  	[sflag:s7] =	ssyncadd.s32 @!p1 $0xFFFFC000  }
0x6d: {  	_ =	swait.ge @!p1 [sflag:s7], $0x4000  }
0x6e: {  	[sflag:s7] =	ssyncset.done @!p1 $0x0  }
0x6f: {  	[sflag:s7] =	ssyncadd.s32 @!p1 $0xFFFFC000;
	s7 =	simm.s32 @!p1 $0x5  }
0x70: {  	_ =	swait.ge @!p1 [sflag:s7], $0x3C00  }
0x71: {  	[sflag:s7] =	ssyncset.done @!p1 $0x0  }
0x72: {  	[sflag:s7] =	ssyncadd.s32 @!p1 $0xFFFFC400  }
0x73: {  	[bflag:$0x0] =	sbarrier.arrive $0xFFFF  }
0x74: {  	s29 =	rddreg [dreg:$0x17]  }
0x75: {  	s7 =	simm.s32 $0x0;
	s12 =	rddreg [dreg:$0x18]  }
0x76: {  	[tilespmem:s9], [sflag:$0x4] =	stream.linear.gather [hbm4b:s29+s7], $0x80, $0x38;
	[tilespmem:$0x1FE80] =	vst v63  }
0x77: {  	s24 =	rddreg [dreg:$0x19]  }
0x78: {  	[tilespmem:s2], [sflag:$0x4] =	stream.linear.gather [hbm4b:s12+s7], $0x80, $0x38;
	[tilespmem:$0x1FE80] =	vst v63  }
0x79: {  	s29 =	rddreg [dreg:$0x1a]  }
0x7a: {  	[tilespmem:s3], [sflag:$0x4] =	stream.linear.gather [hbm4b:s24+s7], $0x80, $0x38;
	[tilespmem:$0x1FE80] =	vst v63  }
0x7b: {  	s12 =	rddreg [dreg:$0x1c]  }
0x7c: {  	[tilespmem:s4], [sflag:$0x4] =	stream.linear.gather [hbm4b:s29+s7], $0x80, $0x38;
	[tilespmem:$0x1FE80] =	vst v63  }
0x7d: {  	s24 =	rddreg [dreg:$0x1d]  }
0x7e: {  	[tilespmem:s10], [sflag:$0x4] =	stream.linear.gather [hbm4b:s12+s7], $0x80, $0x38;
	[tilespmem:$0x1FE80] =	vst v63  }
0x7f: {  	s12 =	rddreg [dreg:$0xf]  }
0x80: {  	[tilespmem:s11], [sflag:$0x4] =	stream.linear.gather [hbm4b:s24+s7], $0x80, $0x38;
	[tilespmem:$0x1FE80] =	vst v63  }
0x81: {  	s29 =	rddreg [dreg:$0xe];
	s12 =	sadd.s32 $0x0, s12  }
0x82: {  	[tilespmem:s13], [sflag:$0x5] =	stream.linear.gather [hbm4b:s12+s6], $0x80, $0x38;
	[tilespmem:$0x1FE80] =	vst v63  }
0x83: {  	s0 =	rddreg [dreg:$0xd];
	s7 =	sadd.s32 $0x0, s29  }
0x84: {  	[tilespmem:s30], [sflag:$0x5] =	stream.linear.gather [hbm4b:s7+s6], $0x80, $0x38;
	[tilespmem:$0x1FE80] =	vst v63  }
0x85: {  	s29 =	sadd.s32 $0x0, s0;
	s12 =	rddreg [dreg:$0xc]  }
0x86: {  	[tilespmem:s15], [sflag:$0x5] =	stream.linear.gather [hbm4b:s29+s6], $0x80, $0x38;
	[tilespmem:$0x1FE80] =	vst v63  }
0x87: {  	s0 =	rddreg [dreg:$0xb];
	s12 =	sadd.s32 $0x0, s12  }
0x88: {  	[tilespmem:s16], [sflag:$0x5] =	stream.linear.gather [hbm4b:s12+s6], $0x80, $0x38;
	[tilespmem:$0x1FE80] =	vst v63  }
0x89: {  	s24 =	simm.s32 $0x13D80;
	s0 =	sadd.s32 $0x0, s0;
	s29 =	rddreg [dreg:$0xa]  }
0x8a: {  	[tilespmem:s24], [sflag:$0x5] =	stream.linear.gather [hbm4b:s0+s6], $0x80, $0x38;
	[tilespmem:$0x1FE80] =	vst v63  }
0x8b: {  	s29 =	sadd.s32 $0x0, s29  }
0x8c: {  	[tilespmem:s14], [sflag:$0x5] =	stream.linear.gather [hbm4b:s29+s6], $0x80, $0x38;
	[tilespmem:$0x1FE80] =	vst v63  }
0x8d: {  	_ =	swait.ge [sflag:s17], $0x80  }
0x8e: {  	[sflag:s17] =	ssyncset.done $0x0  }
0x8f: {  	[sflag:s17] =	ssyncadd.s32 $0xFFFFFF80  }
0x90: {  	_ =	swait.ge [sflag:s17], $0x80  }
0x91: {  	[sflag:s17] =	ssyncset.done $0x0  }
0x92: {  	[sflag:s17] =	ssyncadd.s32 $0xFFFFFF80  }
0x93: {  	_ =	swait.ge [sflag:s17], $0x80  }
0x94: {  	[sflag:s17] =	ssyncset.done $0x0  }
0x95: {  	[sflag:s17] =	ssyncadd.s32 $0xFFFFFF80  }
0x96: {  	_ =	swait.ge [sflag:s17], $0x80  }
0x97: {  	[sflag:s17] =	ssyncset.done $0x0  }
0x98: {  	[sflag:s17] =	ssyncadd.s32 $0xFFFFFF80  }
0x99: {  	_ =	swait.ge [sflag:s17], $0x80  }
0x9a: {  	[sflag:s17] =	ssyncset.done $0x0  }
0x9b: {  	[sflag:s17] =	ssyncadd.s32 $0xFFFFFF80  }
0x9c: {  	_ =	swait.ge [sflag:s17], $0x80  }
0x9d: {  	[sflag:s17] =	ssyncset.done $0x0  }
0x9e: {  	[sflag:s17] =	ssyncadd.s32 $0xFFFFFF80  }
0x9f: {  	[tilespmem:s19], [sflag:$0x1] =	stream.indirect.gather [hbm4b:s1+s18], $0x80, s9, s18, $0xb8;
	[tilespmem:$0x1FE80] =	vst v63  }
0xa0: {  	_ = 	snop  }
0xa1: {  	[tilespmem:s20], [sflag:$0x2] =	stream.indirect.gather [hbm4b:s1+s18], $0x80, s3, s18, $0xb8;
	[tilespmem:$0x1FE80] =	vst v63  }
0xa2: {  	_ = 	snop  }
0xa3: {  	[tilespmem:s21], [sflag:$0x3] =	stream.indirect.gather [hbm4b:s1+s18], $0x80, s10, s18, $0xb8;
	[tilespmem:$0x1FE80] =	vst v63  }
0xa4: {  	_ =	swait.ge [sflag:s22], $0x4000  }
0xa5: {  	[sflag:s22] =	ssyncset.done $0x0  }
0xa6: {  	[sflag:s22] =	ssyncadd.s32 $0xFFFFC000  }
0xa7: {  	[spmem:s5] =	stream.indirect.scatter.add.f32 [tilespmem:s19], [sflag:$0x6], $0x80, s2, s18, $0xb8;
	[tilespmem:$0x1FE80] =	vst v63  }
0xa8: {  	_ =	swait.ge [sflag:s23], $0x4000  }
0xa9: {  	[sflag:s23] =	ssyncset.done $0x0  }
0xaa: {  	[sflag:s23] =	ssyncadd.s32 $0xFFFFC000  }
0xab: {  	_ =	swait.ge [sflag:s25], $0x4000  }
0xac: {  	[sflag:s25] =	ssyncset.done $0x0  }
0xad: {  	[sflag:s25] =	ssyncadd.s32 $0xFFFFC000  }
0xae: {  	[spmem:s5] =	stream.indirect.scatter.add.f32 [tilespmem:s20], [sflag:$0x6], $0x80, s4, s18, $0xb8;
	[tilespmem:$0x1FE80] =	vst v63  }
0xaf: {  	_ =	swait.ge [sflag:s23], $0x4000  }
0xb0: {  	[sflag:s23] =	ssyncset.done $0x0  }
0xb1: {  	[sflag:s23] =	ssyncadd.s32 $0xFFFFC000  }
0xb2: {  	_ =	swait.ge [sflag:s26], $0x4000  }
0xb3: {  	[sflag:s26] =	ssyncset.done $0x0  }
0xb4: {  	s0 =	sld [smem:$0x7F9];
	[sflag:s26] =	ssyncadd.s32 $0xFFFFC000  }
0xb5: {  	[spmem:s5] =	stream.indirect.scatter.add.f32 [tilespmem:s21], [sflag:$0x6], $0x80, s11, s18, $0xb8;
	[tilespmem:$0x1FE80] =	vst v63  }
0xb6: {  	p2 =	por $0x0, $0x0;
	_ =	swait.ge [sflag:s23], $0x4000  }
0xb7: {  	s24 =	simm.s32 @!p2 $0x13880;
	s7 =	sshrl.u32 @!p2 s0, $0x3;
	[sflag:s23] =	ssyncset.done $0x0  }
0xb8: {  	s29 =	simm.s32 @!p2 $0x0;
	s12 =	sadd.s32 @!p2 s31, s7;
	[sflag:s23] =	ssyncadd.s32 $0xFFFFC000  }
0xb9: {  	[tilespmem:s24], [sflag:$0x4] =	stream.linear.gather @!p2 [hbm4b:s12+s29], $0x80, $0x38;
	[tilespmem:$0x1FE80] =	vst v63  }
0xba: {  	s7 =	sadd.s32 @!p2 s8, s7;
	s12 =	simm.s32 @!p2 $0x13900;
	s24 =	rddreg [dreg:$0x9]  }
0xbb: {  	[tilespmem:s12], [sflag:$0x4] =	stream.linear.gather @!p2 [hbm4b:s7+s29], $0x80, $0x38;
	[tilespmem:$0x1FE80] =	vst v63  }
0xbc: {  	s7 =	rddreg [dreg:$0x8];
	s12 =	sadd.s32 @!p2 $0x0, s24;
	s24 =	simm.s32 @!p2 $0x13980  }
0xbd: {  	[tilespmem:s24], [sflag:$0x4] =	stream.linear.gather @!p2 [hbm4b:s12+s29], $0x80, $0x38;
	[tilespmem:$0x1FE80] =	vst v63  }
0xbe: {  	s7 =	sadd.s32 @!p2 $0x0, s7;
	s12 =	rddreg [dreg:$0x7];
	s24 =	simm.s32 @!p2 $0x13A00  }
0xbf: {  	[tilespmem:s24], [sflag:$0x4] =	stream.linear.gather @!p2 [hbm4b:s7+s29], $0x80, $0x38;
	[tilespmem:$0x1FE80] =	vst v63  }
0xc0: {  	s12 =	sadd.s32 @!p2 $0x0, s12;
	s7 =	rddreg [dreg:$0x6];
	s24 =	simm.s32 @!p2 $0x13A80  }
0xc1: {  	[tilespmem:s24], [sflag:$0x4] =	stream.linear.gather @!p2 [hbm4b:s12+s29], $0x80, $0x38;
	[tilespmem:$0x1FE80] =	vst v63  }
0xc2: {  	s7 =	sadd.s32 @!p2 $0x0, s7;
	s12 =	simm.s32 @!p2 $0x13B00  }
0xc3: {  	[tilespmem:s12], [sflag:$0x4] =	stream.linear.gather @!p2 [hbm4b:s7+s29], $0x80, $0x38;
	[tilespmem:$0x1FE80] =	vst v63  }
0xc4: {  	_ =	swait.ge [sflag:s28], $0x80  }
0xc5: {  	[sflag:s28] =	ssyncset.done $0x0  }
0xc6: {  	[sflag:s28] =	ssyncadd.s32 $0xFFFFFF80  }
0xc7: {  	_ =	swait.ge [sflag:s28], $0x80  }
0xc8: {  	[sflag:s28] =	ssyncset.done $0x0  }
0xc9: {  	[sflag:s28] =	ssyncadd.s32 $0xFFFFFF80  }
0xca: {  	_ =	swait.ge [sflag:s28], $0x80  }
0xcb: {  	[sflag:s28] =	ssyncset.done $0x0  }
0xcc: {  	[sflag:s28] =	ssyncadd.s32 $0xFFFFFF80  }
0xcd: {  	_ =	swait.ge [sflag:s28], $0x80  }
0xce: {  	[sflag:s28] =	ssyncset.done $0x0  }
0xcf: {  	[sflag:s28] =	ssyncadd.s32 $0xFFFFFF80  }
0xd0: {  	_ =	swait.ge [sflag:s28], $0x80  }
0xd1: {  	[sflag:s28] =	ssyncset.done $0x0  }
0xd2: {  	[sflag:s28] =	ssyncadd.s32 $0xFFFFFF80  }
0xd3: {  	_ =	swait.ge [sflag:s28], $0x80  }
0xd4: {  	[sflag:s28] =	ssyncset.done $0x0  }
0xd5: {  	[sflag:s28] =	ssyncadd.s32 $0xFFFFFF80  }
0xd6: {  	[tilespmem:s19], [sflag:$0x1] =	stream.indirect.gather [hbm4b:s1+s18], $0x80, s13, s18, $0xb8;
	[tilespmem:$0x1FE80] =	vst v63  }
0xd7: {  	_ = 	snop  }
0xd8: {  	[tilespmem:s20], [sflag:$0x2] =	stream.indirect.gather [hbm4b:s1+s18], $0x80, s15, s18, $0xb8;
	[tilespmem:$0x1FE80] =	vst v63  }
0xd9: {  	s4 =	simm.s32 $0x13D80  }
0xda: {  	[tilespmem:s21], [sflag:$0x3] =	stream.indirect.gather [hbm4b:s1+s18], $0x80, s4, s18, $0xb8;
	[tilespmem:$0x1FE80] =	vst v63  }
0xdb: {  	_ =	swait.ge [sflag:s22], $0x4000  }
0xdc: {  	[sflag:s22] =	ssyncset.done $0x0  }
0xdd: {  	[sflag:s22] =	ssyncadd.s32 $0xFFFFC000  }
0xde: {  	[spmem:s5] =	stream.indirect.scatter.add.f32 [tilespmem:s19], [sflag:$0x6], $0x80, s30, s18, $0xb8;
	[tilespmem:$0x1FE80] =	vst v63  }
0xdf: {  	_ =	swait.ge [sflag:s23], $0x4000  }
0xe0: {  	[sflag:s23] =	ssyncset.done $0x0  }
0xe1: {  	[sflag:s23] =	ssyncadd.s32 $0xFFFFC000  }
0xe2: {  	_ =	swait.ge [sflag:s25], $0x4000  }
0xe3: {  	[sflag:s25] =	ssyncset.done $0x0  }
0xe4: {  	[sflag:s25] =	ssyncadd.s32 $0xFFFFC000  }
0xe5: {  	[spmem:s5] =	stream.indirect.scatter.add.f32 [tilespmem:s20], [sflag:$0x6], $0x80, s16, s18, $0xb8;
	[tilespmem:$0x1FE80] =	vst v63  }
0xe6: {  	_ =	swait.ge [sflag:s23], $0x4000  }
0xe7: {  	[sflag:s23] =	ssyncset.done $0x0  }
0xe8: {  	s10 =	simm.s32 $0x13D00;
	s11 =	simm.s32 $0x13980;
	[sflag:s23] =	ssyncadd.s32 $0xFFFFC000  }
0xe9: {  	s24 =	smov.u32 s0;
	s12 =	simm.s32 $0x60;
	_ =	swait.ge [sflag:s26], $0x4000  }
0xea: {  	s7 =	simm.s32 $0xC0;
	s13 =	simm.s32 $0x13C80;
	[sflag:s26] =	ssyncset.done $0x0  }
0xeb: {  	s15 =	simm.s32 $0x13C00;
	s16 =	simm.s32 $0x13B80;
	[sflag:s26] =	ssyncadd.s32 $0xFFFFC000  }
0xec: {  	[spmem:s5] =	stream.indirect.scatter.add.f32 [tilespmem:s21], [sflag:$0x6], $0x80, s14, s18, $0xb8;
	[tilespmem:$0x1FE80] =	vst v63  }
.LBB2_4:
0xed: {  	_ =	swait.ge [sflag:s23], $0x4000  }
0xee: {  	s2 =	rddreg [dreg:$0xf];
	[sflag:s23] =	ssyncset.done $0x0  }
0xef: {  	s30 =	rddreg [dreg:$0xe];
	[sflag:s23] =	ssyncadd.s32 $0xFFFFC000;
	s2 =	sadd.s32 s12, s2  }
0xf0: {  	[tilespmem:s16], [sflag:$0x5] =	stream.linear.gather [hbm4b:s2+s6], $0x80, $0x38;
	[tilespmem:$0x1FE80] =	vst v63  }
0xf1: {  	s3 =	rddreg [dreg:$0xd];
	s0 =	sadd.s32 s12, s30  }
0xf2: {  	[tilespmem:s15], [sflag:$0x5] =	stream.linear.gather [hbm4b:s0+s6], $0x80, $0x38;
	[tilespmem:$0x1FE80] =	vst v63  }
0xf3: {  	s30 =	rddreg [dreg:$0xc];
	s0 =	sadd.s32 s12, s3  }
0xf4: {  	[tilespmem:s13], [sflag:$0x5] =	stream.linear.gather [hbm4b:s0+s6], $0x80, $0x38;
	[tilespmem:$0x1FE80] =	vst v63  }
0xf5: {  	s3 =	rddreg [dreg:$0xb];
	s0 =	sadd.s32 s12, s30  }
0xf6: {  	[tilespmem:s10], [sflag:$0x5] =	stream.linear.gather [hbm4b:s0+s6], $0x80, $0x38;
	[tilespmem:$0x1FE80] =	vst v63  }
0xf7: {  	s30 =	rddreg [dreg:$0xa];
	s0 =	sadd.s32 s12, s3  }
0xf8: {  	[tilespmem:s4], [sflag:$0x5] =	stream.linear.gather [hbm4b:s0+s6], $0x80, $0x38;
	[tilespmem:$0x1FE80] =	vst v63  }
0xf9: {  	s3 =	sadd.s32 s12, s30  }
0xfa: {  	[tilespmem:s14], [sflag:$0x5] =	stream.linear.gather [hbm4b:s3+s6], $0x80, $0x38;
	[tilespmem:$0x1FE80] =	vst v63  }
0xfb: {  	_ =	swait.ge [sflag:s17], $0x80  }
0xfc: {  	[sflag:s17] =	ssyncset.done $0x0  }
0xfd: {  	[sflag:s17] =	ssyncadd.s32 $0xFFFFFF80  }
0xfe: {  	_ =	swait.ge [sflag:s17], $0x80  }
0xff: {  	[sflag:s17] =	ssyncset.done $0x0  }
0x100: {  	[sflag:s17] =	ssyncadd.s32 $0xFFFFFF80  }
0x101: {  	_ =	swait.ge [sflag:s17], $0x80  }
0x102: {  	[sflag:s17] =	ssyncset.done $0x0  }
0x103: {  	[sflag:s17] =	ssyncadd.s32 $0xFFFFFF80  }
0x104: {  	_ =	swait.ge [sflag:s17], $0x80  }
0x105: {  	[sflag:s17] =	ssyncset.done $0x0  }
0x106: {  	[sflag:s17] =	ssyncadd.s32 $0xFFFFFF80  }
0x107: {  	_ =	swait.ge [sflag:s17], $0x80  }
0x108: {  	[sflag:s17] =	ssyncset.done $0x0  }
0x109: {  	[sflag:s17] =	ssyncadd.s32 $0xFFFFFF80  }
0x10a: {  	_ =	swait.ge [sflag:s17], $0x80  }
0x10b: {  	[sflag:s17] =	ssyncset.done $0x0  }
0x10c: {  	[sflag:s17] =	ssyncadd.s32 $0xFFFFFF80  }
0x10d: {  	[tilespmem:s19], [sflag:$0x1] =	stream.indirect.gather [hbm4b:s1+s18], $0x80, s9, s18, $0xb8;
	[tilespmem:$0x1FE80] =	vst v63  }
0x10e: {  	_ = 	snop  }
0x10f: {  	[tilespmem:s20], [sflag:$0x2] =	stream.indirect.gather [hbm4b:s1+s18], $0x80, s11, s18, $0xb8;
	[tilespmem:$0x1FE80] =	vst v63  }
0x110: {  	s0 =	simm.s32 $0x13A80  }
0x111: {  	[tilespmem:s21], [sflag:$0x3] =	stream.indirect.gather [hbm4b:s1+s18], $0x80, s0, s18, $0xb8;
	[tilespmem:$0x1FE80] =	vst v63  }
0x112: {  	_ =	swait.ge [sflag:s22], $0x4000  }
0x113: {  	[sflag:s22] =	ssyncset.done $0x0  }
0x114: {  	s4 =	simm.s32 $0x13900;
	[sflag:s22] =	ssyncadd.s32 $0xFFFFC000  }
0x115: {  	[spmem:s5] =	stream.indirect.scatter.add.f32 [tilespmem:s19], [sflag:$0x6], $0x80, s4, s18, $0xb8;
	[tilespmem:$0x1FE80] =	vst v63  }
0x116: {  	_ =	swait.ge [sflag:s23], $0x4000  }
0x117: {  	[sflag:s23] =	ssyncset.done $0x0  }
0x118: {  	[sflag:s23] =	ssyncadd.s32 $0xFFFFC000  }
0x119: {  	_ =	swait.ge [sflag:s25], $0x4000  }
0x11a: {  	[sflag:s25] =	ssyncset.done $0x0  }
0x11b: {  	s9 =	simm.s32 $0x13A00;
	[sflag:s25] =	ssyncadd.s32 $0xFFFFC000  }
0x11c: {  	[spmem:s5] =	stream.indirect.scatter.add.f32 [tilespmem:s20], [sflag:$0x6], $0x80, s9, s18, $0xb8;
	[tilespmem:$0x1FE80] =	vst v63  }
0x11d: {  	_ =	swait.ge [sflag:s23], $0x4000  }
0x11e: {  	[sflag:s23] =	ssyncset.done $0x0  }
0x11f: {  	[sflag:s23] =	ssyncadd.s32 $0xFFFFC000  }
0x120: {  	_ =	swait.ge [sflag:s26], $0x4000  }
0x121: {  	[sflag:s26] =	ssyncset.done $0x0  }
0x122: {  	s30 =	simm.s32 $0x13B00;
	[sflag:s26] =	ssyncadd.s32 $0xFFFFC000  }
0x123: {  	[spmem:s5] =	stream.indirect.scatter.add.f32 [tilespmem:s21], [sflag:$0x6], $0x80, s30, s18, $0xb8;
	[tilespmem:$0x1FE80] =	vst v63  }
0x124: {  	s24 =	sadd.s32 $0x300, s24;
	p3 =	seq.s32 s12, $0x480;
	_ =	swait.ge [sflag:s23], $0x4000  }
0x125: {  	s2 =	sshrl.u32 @!p3 s24, $0x3;
	s0 =	simm.s32 @!p3 $0x0;
	[sflag:s23] =	ssyncset.done $0x0  }
0x126: {  	s9 =	simm.s32 @!p3 $0x13880;
	s30 =	sadd.s32 @!p3 s31, s2;
	[sflag:s23] =	ssyncadd.s32 $0xFFFFC000  }
0x127: {  	[tilespmem:s9], [sflag:$0x4] =	stream.linear.gather @!p3 [hbm4b:s30+s0], $0x80, $0x38;
	[tilespmem:$0x1FE80] =	vst v63  }
0x128: {  	s3 =	simm.s32 @!p3 $0x13900;
	s2 =	sadd.s32 @!p3 s8, s2;
	s4 =	rddreg [dreg:$0x9]  }
0x129: {  	[tilespmem:s3], [sflag:$0x4] =	stream.linear.gather @!p3 [hbm4b:s2+s0], $0x80, $0x38;
	[tilespmem:$0x1FE80] =	vst v63  }
0x12a: {  	s30 =	rddreg [dreg:$0x8];
	s2 =	sadd.s32 @!p3 s12, s4;
	s3 =	simm.s32 @!p3 $0x13980  }
0x12b: {  	[tilespmem:s3], [sflag:$0x4] =	stream.linear.gather @!p3 [hbm4b:s2+s0], $0x80, $0x38;
	[tilespmem:$0x1FE80] =	vst v63  }
0x12c: {  	s4 =	rddreg [dreg:$0x7];
	s2 =	sadd.s32 @!p3 s12, s30;
	s3 =	simm.s32 @!p3 $0x13A00  }
0x12d: {  	[tilespmem:s3], [sflag:$0x4] =	stream.linear.gather @!p3 [hbm4b:s2+s0], $0x80, $0x38;
	[tilespmem:$0x1FE80] =	vst v63  }
0x12e: {  	s30 =	rddreg [dreg:$0x6];
	s2 =	sadd.s32 @!p3 s12, s4;
	s3 =	simm.s32 @!p3 $0x13A80  }
0x12f: {  	[tilespmem:s3], [sflag:$0x4] =	stream.linear.gather @!p3 [hbm4b:s2+s0], $0x80, $0x38;
	[tilespmem:$0x1FE80] =	vst v63  }
0x130: {  	s4 =	simm.s32 @!p3 $0x13B00;
	s2 =	sadd.s32 @!p3 s12, s30  }
0x131: {  	[tilespmem:s4], [sflag:$0x4] =	stream.linear.gather @!p3 [hbm4b:s2+s0], $0x80, $0x38;
	[tilespmem:$0x1FE80] =	vst v63  }
0x132: {  	_ =	swait.ge [sflag:s28], $0x80  }
0x133: {  	[sflag:s28] =	ssyncset.done $0x0  }
0x134: {  	[sflag:s28] =	ssyncadd.s32 $0xFFFFFF80  }
0x135: {  	_ =	swait.ge [sflag:s28], $0x80  }
0x136: {  	[sflag:s28] =	ssyncset.done $0x0  }
0x137: {  	[sflag:s28] =	ssyncadd.s32 $0xFFFFFF80  }
0x138: {  	_ =	swait.ge [sflag:s28], $0x80  }
0x139: {  	[sflag:s28] =	ssyncset.done $0x0  }
0x13a: {  	[sflag:s28] =	ssyncadd.s32 $0xFFFFFF80  }
0x13b: {  	_ =	swait.ge [sflag:s28], $0x80  }
0x13c: {  	[sflag:s28] =	ssyncset.done $0x0  }
0x13d: {  	[sflag:s28] =	ssyncadd.s32 $0xFFFFFF80  }
0x13e: {  	_ =	swait.ge [sflag:s28], $0x80  }
0x13f: {  	[sflag:s28] =	ssyncset.done $0x0  }
0x140: {  	[sflag:s28] =	ssyncadd.s32 $0xFFFFFF80  }
0x141: {  	_ =	swait.ge [sflag:s28], $0x80  }
0x142: {  	[sflag:s28] =	ssyncset.done $0x0  }
0x143: {  	[sflag:s28] =	ssyncadd.s32 $0xFFFFFF80  }
0x144: {  	[tilespmem:s19], [sflag:$0x1] =	stream.indirect.gather [hbm4b:s1+s18], $0x80, s16, s18, $0xb8;
	[tilespmem:$0x1FE80] =	vst v63  }
0x145: {  	_ = 	snop  }
0x146: {  	[tilespmem:s20], [sflag:$0x2] =	stream.indirect.gather [hbm4b:s1+s18], $0x80, s13, s18, $0xb8;
	[tilespmem:$0x1FE80] =	vst v63  }
0x147: {  	s4 =	simm.s32 $0x13D80  }
0x148: {  	[tilespmem:s21], [sflag:$0x3] =	stream.indirect.gather [hbm4b:s1+s18], $0x80, s4, s18, $0xb8;
	[tilespmem:$0x1FE80] =	vst v63  }
0x149: {  	_ =	swait.ge [sflag:s22], $0x4000  }
0x14a: {  	[sflag:s22] =	ssyncset.done $0x0  }
0x14b: {  	[sflag:s22] =	ssyncadd.s32 $0xFFFFC000  }
0x14c: {  	[spmem:s5] =	stream.indirect.scatter.add.f32 [tilespmem:s19], [sflag:$0x6], $0x80, s15, s18, $0xb8;
	[tilespmem:$0x1FE80] =	vst v63  }
0x14d: {  	_ =	swait.ge [sflag:s23], $0x4000  }
0x14e: {  	[sflag:s23] =	ssyncset.done $0x0  }
0x14f: {  	[sflag:s23] =	ssyncadd.s32 $0xFFFFC000  }
0x150: {  	_ =	swait.ge [sflag:s25], $0x4000  }
0x151: {  	[sflag:s25] =	ssyncset.done $0x0  }
0x152: {  	[sflag:s25] =	ssyncadd.s32 $0xFFFFC000  }
0x153: {  	[spmem:s5] =	stream.indirect.scatter.add.f32 [tilespmem:s20], [sflag:$0x6], $0x80, s10, s18, $0xb8;
	[tilespmem:$0x1FE80] =	vst v63  }
0x154: {  	s29 =	smov.u32 s7;
	s7 =	sadd.s32 $0x60, s7;
	_ =	swait.ge [sflag:s23], $0x4000  }
0x155: {  	p2 =	sne.s32 s7, $0x4E0;
	[sflag:s23] =	ssyncset.done $0x0  }
.Ltmp1:
0x156: {  	[sflag:s23] =	ssyncadd.s32 $0xFFFFC000;
	(pc) =	sbr.rel @p2 .LBB2_4-.Ltmp1, $4  }
0x157: {  	_ =	swait.ge [sflag:s26], $0x4000  }
0x158: {  	[sflag:s26] =	ssyncset.done $0x0  }
0x159: {  	s9 =	simm.s32 $0x13880;
	s12 =	smov.u32 s29;
	[sflag:s26] =	ssyncadd.s32 $0xFFFFC000  }
0x15a: {  	[spmem:s5] =	stream.indirect.scatter.add.f32 [tilespmem:s21], [sflag:$0x6], $0x80, s14, s18, $0xb8;
	[tilespmem:$0x1FE80] =	vst v63  }
0x15b: {  	_ =	swait.ge [sflag:s23], $0x4000  }
0x15c: {  	s0 =	rddreg [dreg:$0xf];
	[sflag:s23] =	ssyncset.done $0x0  }
0x15d: {  	s2 =	rddreg [dreg:$0xe];
	[sflag:s23] =	ssyncadd.s32 $0xFFFFC000;
	s0 =	sadd.s32 s12, s0  }
0x15e: {  	[tilespmem:s16], [sflag:$0x5] =	stream.linear.gather [hbm4b:s0+s6], $0x80, $0x38;
	[tilespmem:$0x1FE80] =	vst v63  }
0x15f: {  	s3 =	rddreg [dreg:$0xd];
	s7 =	sadd.s32 s12, s2  }
0x160: {  	[tilespmem:s15], [sflag:$0x5] =	stream.linear.gather [hbm4b:s7+s6], $0x80, $0x38;
	[tilespmem:$0x1FE80] =	vst v63  }
0x161: {  	s2 =	rddreg [dreg:$0xc];
	s7 =	sadd.s32 s12, s3  }
0x162: {  	[tilespmem:s13], [sflag:$0x5] =	stream.linear.gather [hbm4b:s7+s6], $0x80, $0x38;
	[tilespmem:$0x1FE80] =	vst v63  }
0x163: {  	s3 =	rddreg [dreg:$0xb];
	s7 =	sadd.s32 s12, s2  }
0x164: {  	[tilespmem:s10], [sflag:$0x5] =	stream.linear.gather [hbm4b:s7+s6], $0x80, $0x38;
	[tilespmem:$0x1FE80] =	vst v63  }
0x165: {  	s2 =	rddreg [dreg:$0xa];
	s7 =	sadd.s32 s12, s3  }
0x166: {  	[tilespmem:s4], [sflag:$0x5] =	stream.linear.gather [hbm4b:s7+s6], $0x80, $0x38;
	[tilespmem:$0x1FE80] =	vst v63  }
0x167: {  	s2 =	sadd.s32 s12, s2  }
0x168: {  	[tilespmem:s14], [sflag:$0x5] =	stream.linear.gather [hbm4b:s2+s6], $0x80, $0x38;
	[tilespmem:$0x1FE80] =	vst v63  }
0x169: {  	_ =	swait.ge [sflag:s17], $0x80  }
0x16a: {  	[sflag:s17] =	ssyncset.done $0x0  }
0x16b: {  	[sflag:s17] =	ssyncadd.s32 $0xFFFFFF80  }
0x16c: {  	_ =	swait.ge [sflag:s17], $0x80  }
0x16d: {  	[sflag:s17] =	ssyncset.done $0x0  }
0x16e: {  	[sflag:s17] =	ssyncadd.s32 $0xFFFFFF80  }
0x16f: {  	_ =	swait.ge [sflag:s17], $0x80  }
0x170: {  	[sflag:s17] =	ssyncset.done $0x0  }
0x171: {  	[sflag:s17] =	ssyncadd.s32 $0xFFFFFF80  }
0x172: {  	_ =	swait.ge [sflag:s17], $0x80  }
0x173: {  	[sflag:s17] =	ssyncset.done $0x0  }
0x174: {  	[sflag:s17] =	ssyncadd.s32 $0xFFFFFF80  }
0x175: {  	_ =	swait.ge [sflag:s17], $0x80  }
0x176: {  	[sflag:s17] =	ssyncset.done $0x0  }
0x177: {  	[sflag:s17] =	ssyncadd.s32 $0xFFFFFF80  }
0x178: {  	_ =	swait.ge [sflag:s17], $0x80  }
0x179: {  	[sflag:s17] =	ssyncset.done $0x0  }
0x17a: {  	[sflag:s17] =	ssyncadd.s32 $0xFFFFFF80  }
0x17b: {  	[tilespmem:s19], [sflag:$0x1] =	stream.indirect.gather [hbm4b:s1+s18], $0x80, s9, s18, $0xb8;
	[tilespmem:$0x1FE80] =	vst v63  }
0x17c: {  	_ = 	snop  }
0x17d: {  	[tilespmem:s20], [sflag:$0x2] =	stream.indirect.gather [hbm4b:s1+s18], $0x80, s11, s18, $0xb8;
	[tilespmem:$0x1FE80] =	vst v63  }
0x17e: {  	s3 =	simm.s32 $0x13A80  }
0x17f: {  	[tilespmem:s21], [sflag:$0x3] =	stream.indirect.gather [hbm4b:s1+s18], $0x80, s3, s18, $0xb8;
	[tilespmem:$0x1FE80] =	vst v63  }
0x180: {  	_ =	swait.ge [sflag:s22], $0x4000  }
0x181: {  	[sflag:s22] =	ssyncset.done $0x0  }
0x182: {  	s4 =	simm.s32 $0x13900;
	[sflag:s22] =	ssyncadd.s32 $0xFFFFC000  }
0x183: {  	[spmem:s5] =	stream.indirect.scatter.add.f32 [tilespmem:s19], [sflag:$0x6], $0x80, s4, s18, $0xb8;
	[tilespmem:$0x1FE80] =	vst v63  }
0x184: {  	_ =	swait.ge [sflag:s23], $0x4000  }
0x185: {  	[sflag:s23] =	ssyncset.done $0x0  }
0x186: {  	[sflag:s23] =	ssyncadd.s32 $0xFFFFC000  }
0x187: {  	_ =	swait.ge [sflag:s25], $0x4000  }
0x188: {  	[sflag:s25] =	ssyncset.done $0x0  }
0x189: {  	s7 =	simm.s32 $0x13A00;
	[sflag:s25] =	ssyncadd.s32 $0xFFFFC000  }
0x18a: {  	[spmem:s5] =	stream.indirect.scatter.add.f32 [tilespmem:s20], [sflag:$0x6], $0x80, s7, s18, $0xb8;
	[tilespmem:$0x1FE80] =	vst v63  }
0x18b: {  	_ =	swait.ge [sflag:s23], $0x4000  }
0x18c: {  	[sflag:s23] =	ssyncset.done $0x0  }
0x18d: {  	[sflag:s23] =	ssyncadd.s32 $0xFFFFC000  }
0x18e: {  	_ =	swait.ge [sflag:s26], $0x4000  }
0x18f: {  	p2 =	seq.s32 s12, $0x480;
	[sflag:s26] =	ssyncset.done $0x0  }
0x190: {  	s0 =	sadd.s32 $0x300, s24;
	s11 =	simm.s32 $0x13B00;
	[sflag:s26] =	ssyncadd.s32 $0xFFFFC000  }
0x191: {  	[spmem:s5] =	stream.indirect.scatter.add.f32 [tilespmem:s21], [sflag:$0x6], $0x80, s11, s18, $0xb8;
	[tilespmem:$0x1FE80] =	vst v63  }
0x192: {  	s0 =	sshrl.u32 @!p2 s0, $0x3;
	_ =	swait.ge [sflag:s23], $0x4000  }
0x193: {  	s2 =	sadd.s32 @!p2 s31, s0;
	[sflag:s23] =	ssyncset.done $0x0  }
0x194: {  	s3 =	simm.s32 @!p2 $0x13880;
	s4 =	simm.s32 @!p2 $0x0;
	[sflag:s23] =	ssyncadd.s32 $0xFFFFC000  }
0x195: {  	[tilespmem:s3], [sflag:$0x4] =	stream.linear.gather @!p2 [hbm4b:s2+s4], $0x80, $0x38;
	[tilespmem:$0x1FE80] =	vst v63  }
0x196: {  	s0 =	sadd.s32 @!p2 s8, s0;
	s2 =	simm.s32 @!p2 $0x13900;
	s3 =	rddreg [dreg:$0x9]  }
0x197: {  	[tilespmem:s2], [sflag:$0x4] =	stream.linear.gather @!p2 [hbm4b:s0+s4], $0x80, $0x38;
	[tilespmem:$0x1FE80] =	vst v63  }
0x198: {  	s0 =	rddreg [dreg:$0x8];
	s2 =	sadd.s32 @!p2 s12, s3;
	s3 =	simm.s32 @!p2 $0x13980  }
0x199: {  	[tilespmem:s3], [sflag:$0x4] =	stream.linear.gather @!p2 [hbm4b:s2+s4], $0x80, $0x38;
	[tilespmem:$0x1FE80] =	vst v63  }
0x19a: {  	s0 =	sadd.s32 @!p2 s12, s0;
	s2 =	rddreg [dreg:$0x7];
	s3 =	simm.s32 @!p2 $0x13A00  }
0x19b: {  	[tilespmem:s3], [sflag:$0x4] =	stream.linear.gather @!p2 [hbm4b:s0+s4], $0x80, $0x38;
	[tilespmem:$0x1FE80] =	vst v63  }
0x19c: {  	s2 =	sadd.s32 @!p2 s12, s2;
	s0 =	rddreg [dreg:$0x6];
	s3 =	simm.s32 @!p2 $0x13A80  }
0x19d: {  	[tilespmem:s3], [sflag:$0x4] =	stream.linear.gather @!p2 [hbm4b:s2+s4], $0x80, $0x38;
	[tilespmem:$0x1FE80] =	vst v63  }
0x19e: {  	s0 =	sadd.s32 @!p2 s12, s0;
	s2 =	simm.s32 @!p2 $0x13B00  }
0x19f: {  	[tilespmem:s2], [sflag:$0x4] =	stream.linear.gather @!p2 [hbm4b:s0+s4], $0x80, $0x38;
	[tilespmem:$0x1FE80] =	vst v63  }
0x1a0: {  	_ =	swait.ge [sflag:s28], $0x80  }
0x1a1: {  	[sflag:s28] =	ssyncset.done $0x0  }
0x1a2: {  	[sflag:s28] =	ssyncadd.s32 $0xFFFFFF80  }
0x1a3: {  	_ =	swait.ge [sflag:s28], $0x80  }
0x1a4: {  	[sflag:s28] =	ssyncset.done $0x0  }
0x1a5: {  	[sflag:s28] =	ssyncadd.s32 $0xFFFFFF80  }
0x1a6: {  	_ =	swait.ge [sflag:s28], $0x80  }
0x1a7: {  	[sflag:s28] =	ssyncset.done $0x0  }
0x1a8: {  	[sflag:s28] =	ssyncadd.s32 $0xFFFFFF80  }
0x1a9: {  	_ =	swait.ge [sflag:s28], $0x80  }
0x1aa: {  	[sflag:s28] =	ssyncset.done $0x0  }
0x1ab: {  	[sflag:s28] =	ssyncadd.s32 $0xFFFFFF80  }
0x1ac: {  	_ =	swait.ge [sflag:s28], $0x80  }
0x1ad: {  	[sflag:s28] =	ssyncset.done $0x0  }
0x1ae: {  	[sflag:s28] =	ssyncadd.s32 $0xFFFFFF80  }
0x1af: {  	_ =	swait.ge [sflag:s28], $0x80  }
0x1b0: {  	[sflag:s28] =	ssyncset.done $0x0  }
0x1b1: {  	[sflag:s28] =	ssyncadd.s32 $0xFFFFFF80  }
0x1b2: {  	[tilespmem:s19], [sflag:$0x1] =	stream.indirect.gather [hbm4b:s1+s18], $0x80, s16, s18, $0xb8;
	[tilespmem:$0x1FE80] =	vst v63  }
0x1b3: {  	_ = 	snop  }
0x1b4: {  	[tilespmem:s20], [sflag:$0x2] =	stream.indirect.gather [hbm4b:s1+s18], $0x80, s13, s18, $0xb8;
	[tilespmem:$0x1FE80] =	vst v63  }
0x1b5: {  	s7 =	simm.s32 $0x13D80  }
0x1b6: {  	[tilespmem:s21], [sflag:$0x3] =	stream.indirect.gather [hbm4b:s1+s18], $0x80, s7, s18, $0xb8;
	[tilespmem:$0x1FE80] =	vst v63  }
0x1b7: {  	_ =	swait.ge [sflag:s22], $0x4000  }
0x1b8: {  	[sflag:s22] =	ssyncset.done $0x0  }
0x1b9: {  	[sflag:s22] =	ssyncadd.s32 $0xFFFFC000  }
0x1ba: {  	[spmem:s5] =	stream.indirect.scatter.add.f32 [tilespmem:s19], [sflag:$0x6], $0x80, s15, s18, $0xb8;
	[tilespmem:$0x1FE80] =	vst v63  }
0x1bb: {  	_ =	swait.ge [sflag:s23], $0x4000  }
0x1bc: {  	[sflag:s23] =	ssyncset.done $0x0  }
0x1bd: {  	[sflag:s23] =	ssyncadd.s32 $0xFFFFC000  }
0x1be: {  	_ =	swait.ge [sflag:s25], $0x4000  }
0x1bf: {  	[sflag:s25] =	ssyncset.done $0x0  }
0x1c0: {  	[sflag:s25] =	ssyncadd.s32 $0xFFFFC000  }
0x1c1: {  	[spmem:s5] =	stream.indirect.scatter.add.f32 [tilespmem:s20], [sflag:$0x6], $0x80, s10, s18, $0xb8;
	[tilespmem:$0x1FE80] =	vst v63  }
0x1c2: {  	_ =	swait.ge [sflag:s23], $0x4000  }
0x1c3: {  	[sflag:s23] =	ssyncset.done $0x0  }
0x1c4: {  	[sflag:s23] =	ssyncadd.s32 $0xFFFFC000  }
0x1c5: {  	_ =	swait.ge [sflag:s26], $0x4000  }
0x1c6: {  	[sflag:s26] =	ssyncset.done $0x0  }
0x1c7: {  	[sflag:s26] =	ssyncadd.s32 $0xFFFFC000  }
0x1c8: {  	[spmem:s5] =	stream.indirect.scatter.add.f32 [tilespmem:s21], [sflag:$0x6], $0x80, s14, s18, $0xb8;
	[tilespmem:$0x1FE80] =	vst v63  }
0x1c9: {  	_ =	swait.ge [sflag:s23], $0x4000  }
0x1ca: {  	s0 =	simm.s32 @!p0 $0x0;
	[sflag:s23] =	ssyncset.done $0x0  }
0x1cb: {  	s2 =	simm.s32 @!p0 $0x13880;
	s3 =	rddreg [dreg:$0x1e];
	[sflag:s23] =	ssyncadd.s32 $0xFFFFC000  }
0x1cc: {  	[tilespmem:s2], [sflag:$0x6] =	stream.linear.gather @!p0 [hbm4b:s3+s0], $0x80, $0x38;
	[tilespmem:$0x1FE80] =	vst v63  }
0x1cd: {  	s3 =	simm.s32 @!p0 $0x6  }
0x1ce: {  	_ =	swait.ge @!p0 [sflag:s3], $0x80  }
0x1cf: {  	[sflag:s3] =	ssyncset.done @!p0 $0x0  }
0x1d0: {  	s4 =	simm.s32 @!p0 $0x13900;
	s7 =	rddreg [dreg:$0x1f];
	[sflag:s3] =	ssyncadd.s32 @!p0 $0xFFFFFF80  }
0x1d1: {  	[tilespmem:s4], [sflag:$0x6] =	stream.linear.gather @!p0 [hbm4b:s7+s0], $0x80, $0x38;
	[tilespmem:$0x1FE80] =	vst v63  }
0x1d2: {  	_ =	swait.ge @!p0 [sflag:s3], $0x80  }
0x1d3: {  	[sflag:s3] =	ssyncset.done @!p0 $0x0  }
0x1d4: {  	s0 =	simm.s32 @!p0 $0x80;
	s7 =	simm.s32 @!p0 $0x13E80;
	[sflag:s3] =	ssyncadd.s32 @!p0 $0xFFFFFF80  }
0x1d5: {  	[tilespmem:s7], [sflag:$0x1] =	stream.indirect.gather @!p0 [hbm4b:s1+s0], $0x80, s2, s0, $0xb8;
	[tilespmem:$0x1FE80] =	vst v63  }
0x1d6: {  	s2 =	simm.s32 @!p0 $0x1  }
0x1d7: {  	_ =	swait.ge @!p0 [sflag:s2], $0x4000  }
0x1d8: {  	[sflag:s2] =	ssyncset.done @!p0 $0x0  }
0x1d9: {  	[sflag:s2] =	ssyncadd.s32 @!p0 $0xFFFFC000  }
0x1da: {  	[spmem:s5] =	stream.indirect.scatter.add.f32 @!p0 [tilespmem:s7], [sflag:$0x6], $0x80, s4, s0, $0xb8;
	[tilespmem:$0x1FE80] =	vst v63  }
0x1db: {  	_ =	swait.ge @!p0 [sflag:s3], $0x4000  }
0x1dc: {  	[sflag:s3] =	ssyncset.done @!p0 $0x0  }
0x1dd: {  	[sflag:s3] =	ssyncadd.s32 @!p0 $0xFFFFC000  }
0x1de: {  	[bflag:$0x0] =	sbarrier.arrive $0xFFFF  }
0x1df: {  	s3 =	sld [smem:$0x7F8]  }
0x1e0: {  	s29 =	rddreg [dreg:$0x15]  }
0x1e1: {  	s2 =	simm.s32 @p1 $0x1FC6;
	s0 =	sshrl.u32 @p1 s29, $0x3  }
0x1e2: {  	[hbm:s3], [sflag:s2] =	dma.local @p1 [spmem:s0], $0x2080  }
0x1e3: {  	s0 =	simm.s32 @p1 $0x6  }
0x1e4: {  	_ =	swait.ge @p1 [sflag:s0], $0x2080  }
0x1e5: {  	s2 =	stileid.u32;
	s24 =	rddreg [dreg:$0x10]  }
0x1e6: {  	s2 =	sshll.u32 @!p1 s2, $0x6;
	[sflag:s0] =	ssyncset.done @p1 $0x0;
	s3 =	rddreg [dreg:$0x1b]  }
0x1e7: {  	[sflag:s0] =	ssyncadd.s32 @p1 $0xFFFFDF80;
	s0 =	sor.u32 @!p1 $0x1C06, s2;
	s2 =	sshrl.u32 @!p1 s24, $0x3  }
0x1e8: {  	[hbm:s3], [sflag:s0] =	dma.local @!p1 [spmem:s2], $0x2780  }
0x1e9: {  	s0 =	simm.s32 @!p1 $0x6  }
0x1ea: {  	_ =	swait.ge @!p1 [sflag:s0], $0x2780  }
0x1eb: {  	s15 =	sld [smem:$0x7F7]  }
0x1ec: {  	s16 =	sld [smem:$0x7FA];
	_ =	sdelay $0x1  }
0x1ed: {  	s7 =	sadd.s32 $0x1, s15  }
0x1ee: {  	p2 =	sne.s32 s7, s16  }
.Ltmp2:
0x1ef: {  	_ = 	snop;
	(pc) =	sbr.rel @p2 .LBB2_1-.Ltmp2, $4  }
0x1f0: {  	s30 =	simm.s32 $0x13C00;
	s11 =	simm.s32 $0x13B00  }
0x1f1: {  	s13 =	simm.s32 $0x13B80;
	s10 =	simm.s32 $0x13A80;
	s4 =	simm.s32 $0x13A00  }
0x1f2: {  	s2 =	simm.s32 $0x13900;
	s3 =	simm.s32 $0x13980;
	[sflag:s0] =	ssyncset.done @!p1 $0x0  }
0x1f3: {  	[sflag:s0] =	ssyncadd.s32 @!p1 $0xFFFFD880;
	s15 =	simm.s32 $0x13C80;
	s16 =	simm.s32 $0x13D00  }
0x1f4: {  	_ =	sfence.sel $0x180000  }
0x1f5: {  	[bflag:$0x0] =	sbarrier.arrive $0xFFFF  }
0x1f6: {  	_ =	strace $0x90000047  }
0x1f7: {  	s0 =	stileid.u32;
	[bflag:$0x2] =	sbarrier.arrive $0xFFFF  }
0x1f8: {  	p0 =	sne.s32 s0, $0x0;
	s0 =	rddreg [dreg:$0x5]  }
0x1f9: {  	s0 =	sadd.s32 @!p0 $0x100000, s0  }
0x1fa: {  	[sflag:s0] =	ssyncadd.tile.s32 @!p0 $0x1;
	_ =	shalt  }
.Lfunc_end2:
_tile_overlayer_lowered:
.L_overlay_start_2:
0x1fb: {  	(tag) =	ssettag $0x2  }
0x1fc: {  	s0 =	rddreg [dreg:$0x0];
	s2 =	stileid.u32  }
0x1fd: {  	s1 =	rddreg [dreg:$0x1];
	p0 =	sne.s32 s2, $0x0  }
0x1fe: {  	s3 =	rddreg [dreg:$0x2];
	[bflag:$0x3] =	sbarrier.arrive $0xFFFF;
	s2 =	simm.s32 @!p0 $0x1C06  }
0x1ff: {  	[timem:s3], [sflag:s2] =	dma.local @!p0 [hbm:s0], s1  }
0x200: {  	s0 =	simm.s32 @!p0 $0x6  }
0x201: {  	_ =	swait.ge @!p0 [sflag:s0], s1  }
0x202: {  	s1 =	ssub.s32 @!p0 $0x0, s1;
	[sflag:s0] =	ssyncset.done @!p0 $0x0  }
0x203: {  	[sflag:s0] =	ssyncadd.s32 @!p0 s1  }
0x204: {  	[bflag:$0x3] =	sbarrier.arrive $0xFFFF  }
0x205: {  	_ =	shalt  }

</sc_bundles>
